<compile_context>
chip_gen: v7x
topology: tpu7x:2x2x1
jax: 0.10.2.dev20260603
libtpu: 0.0.44.dev20260713+nightly
codegen_flags: <defaults>
</compile_context>

<pallas_src>
import functools

import jax
import jax.numpy as jnp
from jax import lax
from jax.experimental import pallas as pl
from jax.experimental.pallas import tpu as pltpu
from jax.experimental.pallas import tpu_sc as plsc

_EMB = 64
_NC = 2
_NS = 16
_NW = _NC * _NS

_CHUNK = 256
_SUB = 128
_NSUB = _CHUNK // _SUB
_NBUF = 5


def _sc_gather(t_flat, table, n_rows):
    b_per_w = n_rows // _NW
    n_chunks = b_per_w // _CHUNK
    n_quads = n_chunks // _NBUF

    mesh = plsc.VectorSubcoreMesh(core_axis_name="c", subcore_axis_name="s")

    @functools.partial(
        pl.kernel,
        mesh=mesh,
        out_type=jax.ShapeDtypeStruct((n_rows, _EMB), jnp.float32),
        scratch_types=[
            pltpu.VMEM((b_per_w,), jnp.int32),
        ] + [pltpu.VMEM((_CHUNK, _EMB), jnp.float32)] * _NBUF
          + [pltpu.SemaphoreType.DMA] * (2 * _NBUF),
        compiler_params=pltpu.CompilerParams(use_tc_tiling_on_sc=False),
    )
    def k(t_hbm, table_hbm, out_hbm, idx_v, *bufs_and_sems):
        rows = bufs_and_sems[:_NBUF]
        gs = bufs_and_sems[_NBUF:2 * _NBUF]
        os_ = bufs_and_sems[2 * _NBUF:3 * _NBUF]

        wid = lax.axis_index("s") * _NC + lax.axis_index("c")
        base = wid * b_per_w

        pltpu.sync_copy(t_hbm.at[pl.ds(base, b_per_w)], idx_v)

        def fire_gather(c, b):
            for j in range(_NSUB):
                pltpu.async_copy(
                    table_hbm.at[idx_v.at[pl.ds(c * _CHUNK + j * _SUB, _SUB)]],
                    rows[b].at[pl.ds(j * _SUB, _SUB)],
                    gs[b])

        def wait_gather(b):
            pltpu.make_async_copy(
                table_hbm.at[idx_v.at[pl.ds(0, _SUB)]],
                rows[b], gs[b]).wait()

        def fire_wb(c, b):
            pltpu.async_copy(
                rows[b], out_hbm.at[pl.ds(base + c * _CHUNK, _CHUNK)], os_[b])

        def wait_wb(b):
            pltpu.make_async_copy(
                rows[b], out_hbm.at[pl.ds(0, _CHUNK)], os_[b]).wait()

        for b in range(_NBUF):
            fire_gather(b, b)

        def body(i, carry):
            c0 = _NBUF * i
            for b in range(_NBUF):
                wait_gather(b)
                fire_wb(c0 + b, b)
            for b in range(_NBUF):
                wait_wb(b)
                fire_gather(c0 + _NBUF + b, b)
            return carry

        lax.fori_loop(0, n_quads - 1, body, 0)

        c_last = n_chunks - _NBUF
        for b in range(_NBUF):
            wait_gather(b)
            fire_wb(c_last + b, b)
        for b in range(_NBUF):
            wait_wb(b)

    return k(t_flat, table)


def kernel(t, pos_embeddings):
    b, s = t.shape
    flat = _sc_gather(t.reshape(-1), pos_embeddings, b * s)
    return flat.reshape(b, s, _EMB)

# --- scband reference (transcript-rebuilt; emitter-appended) ---
"""Pipeline reference for scband-positional-encoding-18150531793034 (READ-ONLY COPY).

The authoritative reference and input builder live on the scoring server;
editing this copy changes nothing except your own understanding.
"""

import jax, jax.numpy as jnp
import numpy as np

MAX_T = 100000
EMB = 64
N_BASE = 10000


def _build_table():
    i = jnp.arange(EMB // 2, dtype=jnp.float32)
    k = jnp.arange(MAX_T, dtype=jnp.float32)[:, None]
    angles = k / (N_BASE ** (2.0 * i / EMB))
    tab = jnp.zeros((MAX_T, EMB), dtype=jnp.float32)
    tab = tab.at[:, 0::2].set(jnp.sin(angles))
    tab = tab.at[:, 1::2].set(jnp.cos(angles))
    return tab


def setup_inputs(seed: int = 0) -> dict:
    key = jax.random.key(seed)
    t = jax.random.randint(key, (16384, 50), 0, MAX_T, dtype=jnp.int32)
    pos_embeddings = _build_table()
    return {"t": t, "pos_embeddings": pos_embeddings}


def reference(t, pos_embeddings):
    # Faithful translation of PositionalEncoding.forward: table row gather.
    return jnp.take(pos_embeddings, t, axis=0)

if __name__ == "__main__":
    import jax
    _d = setup_inputs()
    print(jax.jit(kernel)(*tuple(_d.values())))

</pallas_src>

<mosaic_0001>
#map = affine_map<(d0, d1) -> (0)>
#map1 = affine_map<(d0, d1) -> (0, 0)>
module attributes {stable_mosaic.version = 14 : i64} {
  func.func @k(%arg0: i32, %arg1: i32, %arg2: memref<819200xi32, #tpu.memory_space<hbm>>, %arg3: memref<100000x64xf32, #tpu.memory_space<hbm>>, %arg4: memref<819200x64xf32, #tpu.memory_space<hbm>>, %arg5: memref<25600xi32, #tpu.memory_space<vmem>>, %arg6: memref<256x64xf32, #tpu.memory_space<vmem>>, %arg7: memref<256x64xf32, #tpu.memory_space<vmem>>, %arg8: memref<256x64xf32, #tpu.memory_space<vmem>>, %arg9: memref<256x64xf32, #tpu.memory_space<vmem>>, %arg10: memref<256x64xf32, #tpu.memory_space<vmem>>, %arg11: memref<!tpu.dma_semaphore, #tpu.memory_space<semaphore_mem>>, %arg12: memref<!tpu.dma_semaphore, #tpu.memory_space<semaphore_mem>>, %arg13: memref<!tpu.dma_semaphore, #tpu.memory_space<semaphore_mem>>, %arg14: memref<!tpu.dma_semaphore, #tpu.memory_space<semaphore_mem>>, %arg15: memref<!tpu.dma_semaphore, #tpu.memory_space<semaphore_mem>>, %arg16: memref<!tpu.dma_semaphore, #tpu.memory_space<semaphore_mem>>, %arg17: memref<!tpu.dma_semaphore, #tpu.memory_space<semaphore_mem>>, %arg18: memref<!tpu.dma_semaphore, #tpu.memory_space<semaphore_mem>>, %arg19: memref<!tpu.dma_semaphore, #tpu.memory_space<semaphore_mem>>, %arg20: memref<!tpu.dma_semaphore, #tpu.memory_space<semaphore_mem>>) attributes {dimension_semantics = [#tpu.dimension_semantics<core_parallel>, #tpu.dimension_semantics<subcore_parallel>], iteration_bounds = array<i64: 2, 16>, scalar_prefetch = 0 : i64, scratch_operands = 16 : i64, tpu.core_type = #tpu.core_type<sc_vector_subcore>, window_params = [{transform_indices = #map}, {transform_indices = #map1}, {transform_indices = #map1}]} {
    %mul3A = arith.constant 2 : i32
    %mul3A_0 = arith.muli %arg1, %mul3A : i32
    %add3A = arith.addi %mul3A_0, %arg0 : i32
    %mul3A_1 = arith.constant 25600 : i32
    %mul3A_2 = arith.muli %add3A, %mul3A_1 : i32
    "tpu.region"() ({
      %run_scoped3A = tpu.sem_alloc : memref<!tpu.dma_semaphore, #tpu.memory_space<semaphore_mem>>
      %dma_start3A_171 = tpu.memref_slice %arg2[%mul3A_2] : memref<819200xi32, #tpu.memory_space<hbm>> -> memref<25600xi32, #tpu.memory_space<hbm>>
      %dma_start3A_172 = tpu.memref_slice %arg2[%mul3A_2] : memref<819200xi32, #tpu.memory_space<hbm>> -> memref<25600xi32, #tpu.memory_space<hbm>>
      tpu.enqueue_dma source(%dma_start3A_172 : memref<25600xi32, #tpu.memory_space<hbm>>) target(%arg5 : memref<25600xi32, #tpu.memory_space<vmem>>) target_semaphore(%run_scoped3A : memref<!tpu.dma_semaphore, #tpu.memory_space<semaphore_mem>>)
      %dma_wait3A_173 = tpu.memref_slice %arg2[%mul3A_2] : memref<819200xi32, #tpu.memory_space<hbm>> -> memref<25600xi32, #tpu.memory_space<hbm>>
      %dma_wait3A_174 = tpu.memref_slice %arg2[%mul3A_2] : memref<819200xi32, #tpu.memory_space<hbm>> -> memref<25600xi32, #tpu.memory_space<hbm>>
      tpu.wait_dma2 semaphore(%run_scoped3A : memref<!tpu.dma_semaphore, #tpu.memory_space<semaphore_mem>>) src(%dma_wait3A_174 : memref<25600xi32, #tpu.memory_space<hbm>>) dst(%arg5 : memref<25600xi32, #tpu.memory_space<vmem>>)
      tpu.yield
    }) : () -> ()
    %dma_start3A = arith.constant 0 : i32
    %dma_start3A_3 = arith.constant 0 : i32
    %dma_start3A_4 = tpu.memref_slice %arg6[%dma_start3A, %dma_start3A_3] : memref<256x64xf32, #tpu.memory_space<vmem>> -> memref<128x64xf32, #tpu.memory_space<vmem>>
    %dma_start3A_5 = arith.constant 0 : i32
    %dma_start3A_6 = tpu.memref_slice %arg5[%dma_start3A_5] : memref<25600xi32, #tpu.memory_space<vmem>> -> memref<128xi32, #tpu.memory_space<vmem>>
    %dma_start3A_7 = arith.constant 0 : i32
    %dma_start3A_8 = arith.constant 0 : i32
    %dma_start3A_9 = tpu.memref_slice %arg3[%dma_start3A_7, %dma_start3A_8] : memref<100000x64xf32, #tpu.memory_space<hbm>> -> memref<100000x64xf32, #tpu.memory_space<hbm>>
    tpu.enqueue_indirect_dma source(%dma_start3A_9 : memref<100000x64xf32, #tpu.memory_space<hbm>>) target(%dma_start3A_4 : memref<128x64xf32, #tpu.memory_space<vmem>>) offsets(%dma_start3A_6 : memref<128xi32, #tpu.memory_space<vmem>>) semaphore(%arg11 : memref<!tpu.dma_semaphore, #tpu.memory_space<semaphore_mem>>)
    %dma_start3A_10 = arith.constant 128 : i32
    %dma_start3A_11 = arith.constant 0 : i32
    %dma_start3A_12 = tpu.memref_slice %arg6[%dma_start3A_10, %dma_start3A_11] : memref<256x64xf32, #tpu.memory_space<vmem>> -> memref<128x64xf32, #tpu.memory_space<vmem>>
    %dma_start3A_13 = arith.constant 128 : i32
    %dma_start3A_14 = tpu.memref_slice %arg5[%dma_start3A_13] : memref<25600xi32, #tpu.memory_space<vmem>> -> memref<128xi32, #tpu.memory_space<vmem>>
    %dma_start3A_15 = arith.constant 0 : i32
    %dma_start3A_16 = arith.constant 0 : i32
    %dma_start3A_17 = tpu.memref_slice %arg3[%dma_start3A_15, %dma_start3A_16] : memref<100000x64xf32, #tpu.memory_space<hbm>> -> memref<100000x64xf32, #tpu.memory_space<hbm>>
    tpu.enqueue_indirect_dma source(%dma_start3A_17 : memref<100000x64xf32, #tpu.memory_space<hbm>>) target(%dma_start3A_12 : memref<128x64xf32, #tpu.memory_space<vmem>>) offsets(%dma_start3A_14 : memref<128xi32, #tpu.memory_space<vmem>>) semaphore(%arg11 : memref<!tpu.dma_semaphore, #tpu.memory_space<semaphore_mem>>)
    %dma_start3A_18 = arith.constant 0 : i32
    %dma_start3A_19 = arith.constant 0 : i32
    %dma_start3A_20 = tpu.memref_slice %arg7[%dma_start3A_18, %dma_start3A_19] : memref<256x64xf32, #tpu.memory_space<vmem>> -> memref<128x64xf32, #tpu.memory_space<vmem>>
    %dma_start3A_21 = arith.constant 256 : i32
    %dma_start3A_22 = tpu.memref_slice %arg5[%dma_start3A_21] : memref<25600xi32, #tpu.memory_space<vmem>> -> memref<128xi32, #tpu.memory_space<vmem>>
    %dma_start3A_23 = arith.constant 0 : i32
    %dma_start3A_24 = arith.constant 0 : i32
    %dma_start3A_25 = tpu.memref_slice %arg3[%dma_start3A_23, %dma_start3A_24] : memref<100000x64xf32, #tpu.memory_space<hbm>> -> memref<100000x64xf32, #tpu.memory_space<hbm>>
    tpu.enqueue_indirect_dma source(%dma_start3A_25 : memref<100000x64xf32, #tpu.memory_space<hbm>>) target(%dma_start3A_20 : memref<128x64xf32, #tpu.memory_space<vmem>>) offsets(%dma_start3A_22 : memref<128xi32, #tpu.memory_space<vmem>>) semaphore(%arg12 : memref<!tpu.dma_semaphore, #tpu.memory_space<semaphore_mem>>)
    %dma_start3A_26 = arith.constant 128 : i32
    %dma_start3A_27 = arith.constant 0 : i32
    %dma_start3A_28 = tpu.memref_slice %arg7[%dma_start3A_26, %dma_start3A_27] : memref<256x64xf32, #tpu.memory_space<vmem>> -> memref<128x64xf32, #tpu.memory_space<vmem>>
    %dma_start3A_29 = arith.constant 384 : i32
    %dma_start3A_30 = tpu.memref_slice %arg5[%dma_start3A_29] : memref<25600xi32, #tpu.memory_space<vmem>> -> memref<128xi32, #tpu.memory_space<vmem>>
    %dma_start3A_31 = arith.constant 0 : i32
    %dma_start3A_32 = arith.constant 0 : i32
    %dma_start3A_33 = tpu.memref_slice %arg3[%dma_start3A_31, %dma_start3A_32] : memref<100000x64xf32, #tpu.memory_space<hbm>> -> memref<100000x64xf32, #tpu.memory_space<hbm>>
    tpu.enqueue_indirect_dma source(%dma_start3A_33 : memref<100000x64xf32, #tpu.memory_space<hbm>>) target(%dma_start3A_28 : memref<128x64xf32, #tpu.memory_space<vmem>>) offsets(%dma_start3A_30 : memref<128xi32, #tpu.memory_space<vmem>>) semaphore(%arg12 : memref<!tpu.dma_semaphore, #tpu.memory_space<semaphore_mem>>)
    %dma_start3A_34 = arith.constant 0 : i32
    %dma_start3A_35 = arith.constant 0 : i32
    %dma_start3A_36 = tpu.memref_slice %arg8[%dma_start3A_34, %dma_start3A_35] : memref<256x64xf32, #tpu.memory_space<vmem>> -> memref<128x64xf32, #tpu.memory_space<vmem>>
    %dma_start3A_37 = arith.constant 512 : i32
    %dma_start3A_38 = tpu.memref_slice %arg5[%dma_start3A_37] : memref<25600xi32, #tpu.memory_space<vmem>> -> memref<128xi32, #tpu.memory_space<vmem>>
    %dma_start3A_39 = arith.constant 0 : i32
    %dma_start3A_40 = arith.constant 0 : i32
    %dma_start3A_41 = tpu.memref_slice %arg3[%dma_start3A_39, %dma_start3A_40] : memref<100000x64xf32, #tpu.memory_space<hbm>> -> memref<100000x64xf32, #tpu.memory_space<hbm>>
    tpu.enqueue_indirect_dma source(%dma_start3A_41 : memref<100000x64xf32, #tpu.memory_space<hbm>>) target(%dma_start3A_36 : memref<128x64xf32, #tpu.memory_space<vmem>>) offsets(%dma_start3A_38 : memref<128xi32, #tpu.memory_space<vmem>>) semaphore(%arg13 : memref<!tpu.dma_semaphore, #tpu.memory_space<semaphore_mem>>)
    %dma_start3A_42 = arith.constant 128 : i32
    %dma_start3A_43 = arith.constant 0 : i32
    %dma_start3A_44 = tpu.memref_slice %arg8[%dma_start3A_42, %dma_start3A_43] : memref<256x64xf32, #tpu.memory_space<vmem>> -> memref<128x64xf32, #tpu.memory_space<vmem>>
    %dma_start3A_45 = arith.constant 640 : i32
    %dma_start3A_46 = tpu.memref_slice %arg5[%dma_start3A_45] : memref<25600xi32, #tpu.memory_space<vmem>> -> memref<128xi32, #tpu.memory_space<vmem>>
    %dma_start3A_47 = arith.constant 0 : i32
    %dma_start3A_48 = arith.constant 0 : i32
    %dma_start3A_49 = tpu.memref_slice %arg3[%dma_start3A_47, %dma_start3A_48] : memref<100000x64xf32, #tpu.memory_space<hbm>> -> memref<100000x64xf32, #tpu.memory_space<hbm>>
    tpu.enqueue_indirect_dma source(%dma_start3A_49 : memref<100000x64xf32, #tpu.memory_space<hbm>>) target(%dma_start3A_44 : memref<128x64xf32, #tpu.memory_space<vmem>>) offsets(%dma_start3A_46 : memref<128xi32, #tpu.memory_space<vmem>>) semaphore(%arg13 : memref<!tpu.dma_semaphore, #tpu.memory_space<semaphore_mem>>)
    %dma_start3A_50 = arith.constant 0 : i32
    %dma_start3A_51 = arith.constant 0 : i32
    %dma_start3A_52 = tpu.memref_slice %arg9[%dma_start3A_50, %dma_start3A_51] : memref<256x64xf32, #tpu.memory_space<vmem>> -> memref<128x64xf32, #tpu.memory_space<vmem>>
    %dma_start3A_53 = arith.constant 768 : i32
    %dma_start3A_54 = tpu.memref_slice %arg5[%dma_start3A_53] : memref<25600xi32, #tpu.memory_space<vmem>> -> memref<128xi32, #tpu.memory_space<vmem>>
    %dma_start3A_55 = arith.constant 0 : i32
    %dma_start3A_56 = arith.constant 0 : i32
    %dma_start3A_57 = tpu.memref_slice %arg3[%dma_start3A_55, %dma_start3A_56] : memref<100000x64xf32, #tpu.memory_space<hbm>> -> memref<100000x64xf32, #tpu.memory_space<hbm>>
    tpu.enqueue_indirect_dma source(%dma_start3A_57 : memref<100000x64xf32, #tpu.memory_space<hbm>>) target(%dma_start3A_52 : memref<128x64xf32, #tpu.memory_space<vmem>>) offsets(%dma_start3A_54 : memref<128xi32, #tpu.memory_space<vmem>>) semaphore(%arg14 : memref<!tpu.dma_semaphore, #tpu.memory_space<semaphore_mem>>)
    %dma_start3A_58 = arith.constant 128 : i32
    %dma_start3A_59 = arith.constant 0 : i32
    %dma_start3A_60 = tpu.memref_slice %arg9[%dma_start3A_58, %dma_start3A_59] : memref<256x64xf32, #tpu.memory_space<vmem>> -> memref<128x64xf32, #tpu.memory_space<vmem>>
    %dma_start3A_61 = arith.constant 896 : i32
    %dma_start3A_62 = tpu.memref_slice %arg5[%dma_start3A_61] : memref<25600xi32, #tpu.memory_space<vmem>> -> memref<128xi32, #tpu.memory_space<vmem>>
    %dma_start3A_63 = arith.constant 0 : i32
    %dma_start3A_64 = arith.constant 0 : i32
    %dma_start3A_65 = tpu.memref_slice %arg3[%dma_start3A_63, %dma_start3A_64] : memref<100000x64xf32, #tpu.memory_space<hbm>> -> memref<100000x64xf32, #tpu.memory_space<hbm>>
    tpu.enqueue_indirect_dma source(%dma_start3A_65 : memref<100000x64xf32, #tpu.memory_space<hbm>>) target(%dma_start3A_60 : memref<128x64xf32, #tpu.memory_space<vmem>>) offsets(%dma_start3A_62 : memref<128xi32, #tpu.memory_space<vmem>>) semaphore(%arg14 : memref<!tpu.dma_semaphore, #tpu.memory_space<semaphore_mem>>)
    %dma_start3A_66 = arith.constant 0 : i32
    %dma_start3A_67 = arith.constant 0 : i32
    %dma_start3A_68 = tpu.memref_slice %arg10[%dma_start3A_66, %dma_start3A_67] : memref<256x64xf32, #tpu.memory_space<vmem>> -> memref<128x64xf32, #tpu.memory_space<vmem>>
    %dma_start3A_69 = arith.constant 1024 : i32
    %dma_start3A_70 = tpu.memref_slice %arg5[%dma_start3A_69] : memref<25600xi32, #tpu.memory_space<vmem>> -> memref<128xi32, #tpu.memory_space<vmem>>
    %dma_start3A_71 = arith.constant 0 : i32
    %dma_start3A_72 = arith.constant 0 : i32
    %dma_start3A_73 = tpu.memref_slice %arg3[%dma_start3A_71, %dma_start3A_72] : memref<100000x64xf32, #tpu.memory_space<hbm>> -> memref<100000x64xf32, #tpu.memory_space<hbm>>
    tpu.enqueue_indirect_dma source(%dma_start3A_73 : memref<100000x64xf32, #tpu.memory_space<hbm>>) target(%dma_start3A_68 : memref<128x64xf32, #tpu.memory_space<vmem>>) offsets(%dma_start3A_70 : memref<128xi32, #tpu.memory_space<vmem>>) semaphore(%arg15 : memref<!tpu.dma_semaphore, #tpu.memory_space<semaphore_mem>>)
    %dma_start3A_74 = arith.constant 128 : i32
    %dma_start3A_75 = arith.constant 0 : i32
    %dma_start3A_76 = tpu.memref_slice %arg10[%dma_start3A_74, %dma_start3A_75] : memref<256x64xf32, #tpu.memory_space<vmem>> -> memref<128x64xf32, #tpu.memory_space<vmem>>
    %dma_start3A_77 = arith.constant 1152 : i32
    %dma_start3A_78 = tpu.memref_slice %arg5[%dma_start3A_77] : memref<25600xi32, #tpu.memory_space<vmem>> -> memref<128xi32, #tpu.memory_space<vmem>>
    %dma_start3A_79 = arith.constant 0 : i32
    %dma_start3A_80 = arith.constant 0 : i32
    %dma_start3A_81 = tpu.memref_slice %arg3[%dma_start3A_79, %dma_start3A_80] : memref<100000x64xf32, #tpu.memory_space<hbm>> -> memref<100000x64xf32, #tpu.memory_space<hbm>>
    tpu.enqueue_indirect_dma source(%dma_start3A_81 : memref<100000x64xf32, #tpu.memory_space<hbm>>) target(%dma_start3A_76 : memref<128x64xf32, #tpu.memory_space<vmem>>) offsets(%dma_start3A_78 : memref<128xi32, #tpu.memory_space<vmem>>) semaphore(%arg15 : memref<!tpu.dma_semaphore, #tpu.memory_space<semaphore_mem>>)
    %scan3A = arith.constant 0 : i32
    %scan3A_82 = arith.constant 0 : i32
    %scan3A_83 = arith.constant 19 : i32
    %scan3A_84 = arith.addi %scan3A_82, %scan3A_83 : i32
    %scan3A_85 = arith.constant 1 : i32
    scf.for %scan3A_171 = %scan3A_82 to %scan3A_84 step %scan3A_85  : i32 {
      %mul3A_172 = arith.constant 5 : i32
      %mul3A_173 = arith.muli %mul3A_172, %scan3A_171 : i32
      %dma_wait3A_174 = arith.constant 0 : i32
      %dma_wait3A_175 = tpu.memref_slice %arg5[%dma_wait3A_174] : memref<25600xi32, #tpu.memory_space<vmem>> -> memref<128xi32, #tpu.memory_space<vmem>>
      %dma_wait3A_176 = arith.constant 0 : i32
      %dma_wait3A_177 = arith.constant 0 : i32
      %dma_wait3A_178 = tpu.memref_slice %arg3[%dma_wait3A_176, %dma_wait3A_177] : memref<100000x64xf32, #tpu.memory_space<hbm>> -> memref<100000x64xf32, #tpu.memory_space<hbm>>
      tpu.wait_indirect_dma semaphore(%arg11 : memref<!tpu.dma_semaphore, #tpu.memory_space<semaphore_mem>>) src(%dma_wait3A_178 : memref<100000x64xf32, #tpu.memory_space<hbm>>) dst(%arg6 : memref<256x64xf32, #tpu.memory_space<vmem>>)
      %add3A_179 = arith.constant 0 : i32
      %add3A_180 = arith.addi %mul3A_173, %add3A_179 : i32
      %mul3A_181 = arith.constant 256 : i32
      %mul3A_182 = arith.muli %add3A_180, %mul3A_181 : i32
      %add3A_183 = arith.addi %mul3A_2, %mul3A_182 : i32
      %dma_start3A_184 = arith.constant 0 : i32
      %dma_start3A_185 = tpu.memref_slice %arg4[%add3A_183, %dma_start3A_184] : memref<819200x64xf32, #tpu.memory_space<hbm>> -> memref<256x64xf32, #tpu.memory_space<hbm>>
      %dma_start3A_186 = arith.constant 0 : i32
      %dma_start3A_187 = tpu.memref_slice %arg4[%add3A_183, %dma_start3A_186] : memref<819200x64xf32, #tpu.memory_space<hbm>> -> memref<256x64xf32, #tpu.memory_space<hbm>>
      tpu.enqueue_dma source(%arg6 : memref<256x64xf32, #tpu.memory_space<vmem>>) target(%dma_start3A_187 : memref<256x64xf32, #tpu.memory_space<hbm>>) target_semaphore(%arg16 : memref<!tpu.dma_semaphore, #tpu.memory_space<semaphore_mem>>)
      %dma_wait3A_188 = arith.constant 0 : i32
      %dma_wait3A_189 = tpu.memref_slice %arg5[%dma_wait3A_188] : memref<25600xi32, #tpu.memory_space<vmem>> -> memref<128xi32, #tpu.memory_space<vmem>>
      %dma_wait3A_190 = arith.constant 0 : i32
      %dma_wait3A_191 = arith.constant 0 : i32
      %dma_wait3A_192 = tpu.memref_slice %arg3[%dma_wait3A_190, %dma_wait3A_191] : memref<100000x64xf32, #tpu.memory_space<hbm>> -> memref<100000x64xf32, #tpu.memory_space<hbm>>
      tpu.wait_indirect_dma semaphore(%arg12 : memref<!tpu.dma_semaphore, #tpu.memory_space<semaphore_mem>>) src(%dma_wait3A_192 : memref<100000x64xf32, #tpu.memory_space<hbm>>) dst(%arg7 : memref<256x64xf32, #tpu.memory_space<vmem>>)
      %add3A_193 = arith.constant 1 : i32
      %add3A_194 = arith.addi %mul3A_173, %add3A_193 : i32
      %mul3A_195 = arith.constant 256 : i32
      %mul3A_196 = arith.muli %add3A_194, %mul3A_195 : i32
      %add3A_197 = arith.addi %mul3A_2, %mul3A_196 : i32
      %dma_start3A_198 = arith.constant 0 : i32
      %dma_start3A_199 = tpu.memref_slice %arg4[%add3A_197, %dma_start3A_198] : memref<819200x64xf32, #tpu.memory_space<hbm>> -> memref<256x64xf32, #tpu.memory_space<hbm>>
      %dma_start3A_200 = arith.constant 0 : i32
      %dma_start3A_201 = tpu.memref_slice %arg4[%add3A_197, %dma_start3A_200] : memref<819200x64xf32, #tpu.memory_space<hbm>> -> memref<256x64xf32, #tpu.memory_space<hbm>>
      tpu.enqueue_dma source(%arg7 : memref<256x64xf32, #tpu.memory_space<vmem>>) target(%dma_start3A_201 : memref<256x64xf32, #tpu.memory_space<hbm>>) target_semaphore(%arg17 : memref<!tpu.dma_semaphore, #tpu.memory_space<semaphore_mem>>)
      %dma_wait3A_202 = arith.constant 0 : i32
      %dma_wait3A_203 = tpu.memref_slice %arg5[%dma_wait3A_202] : memref<25600xi32, #tpu.memory_space<vmem>> -> memref<128xi32, #tpu.memory_space<vmem>>
      %dma_wait3A_204 = arith.constant 0 : i32
      %dma_wait3A_205 = arith.constant 0 : i32
      %dma_wait3A_206 = tpu.memref_slice %arg3[%dma_wait3A_204, %dma_wait3A_205] : memref<100000x64xf32, #tpu.memory_space<hbm>> -> memref<100000x64xf32, #tpu.memory_space<hbm>>
      tpu.wait_indirect_dma semaphore(%arg13 : memref<!tpu.dma_semaphore, #tpu.memory_space<semaphore_mem>>) src(%dma_wait3A_206 : memref<100000x64xf32, #tpu.memory_space<hbm>>) dst(%arg8 : memref<256x64xf32, #tpu.memory_space<vmem>>)
      %add3A_207 = arith.constant 2 : i32
      %add3A_208 = arith.addi %mul3A_173, %add3A_207 : i32
      %mul3A_209 = arith.constant 256 : i32
      %mul3A_210 = arith.muli %add3A_208, %mul3A_209 : i32
      %add3A_211 = arith.addi %mul3A_2, %mul3A_210 : i32
      %dma_start3A_212 = arith.constant 0 : i32
      %dma_start3A_213 = tpu.memref_slice %arg4[%add3A_211, %dma_start3A_212] : memref<819200x64xf32, #tpu.memory_space<hbm>> -> memref<256x64xf32, #tpu.memory_space<hbm>>
      %dma_start3A_214 = arith.constant 0 : i32
      %dma_start3A_215 = tpu.memref_slice %arg4[%add3A_211, %dma_start3A_214] : memref<819200x64xf32, #tpu.memory_space<hbm>> -> memref<256x64xf32, #tpu.memory_space<hbm>>
      tpu.enqueue_dma source(%arg8 : memref<256x64xf32, #tpu.memory_space<vmem>>) target(%dma_start3A_215 : memref<256x64xf32, #tpu.memory_space<hbm>>) target_semaphore(%arg18 : memref<!tpu.dma_semaphore, #tpu.memory_space<semaphore_mem>>)
      %dma_wait3A_216 = arith.constant 0 : i32
      %dma_wait3A_217 = tpu.memref_slice %arg5[%dma_wait3A_216] : memref<25600xi32, #tpu.memory_space<vmem>> -> memref<128xi32, #tpu.memory_space<vmem>>
      %dma_wait3A_218 = arith.constant 0 : i32
      %dma_wait3A_219 = arith.constant 0 : i32
      %dma_wait3A_220 = tpu.memref_slice %arg3[%dma_wait3A_218, %dma_wait3A_219] : memref<100000x64xf32, #tpu.memory_space<hbm>> -> memref<100000x64xf32, #tpu.memory_space<hbm>>
      tpu.wait_indirect_dma semaphore(%arg14 : memref<!tpu.dma_semaphore, #tpu.memory_space<semaphore_mem>>) src(%dma_wait3A_220 : memref<100000x64xf32, #tpu.memory_space<hbm>>) dst(%arg9 : memref<256x64xf32, #tpu.memory_space<vmem>>)
      %add3A_221 = arith.constant 3 : i32
      %add3A_222 = arith.addi %mul3A_173, %add3A_221 : i32
      %mul3A_223 = arith.constant 256 : i32
      %mul3A_224 = arith.muli %add3A_222, %mul3A_223 : i32
      %add3A_225 = arith.addi %mul3A_2, %mul3A_224 : i32
      %dma_start3A_226 = arith.constant 0 : i32
      %dma_start3A_227 = tpu.memref_slice %arg4[%add3A_225, %dma_start3A_226] : memref<819200x64xf32, #tpu.memory_space<hbm>> -> memref<256x64xf32, #tpu.memory_space<hbm>>
      %dma_start3A_228 = arith.constant 0 : i32
      %dma_start3A_229 = tpu.memref_slice %arg4[%add3A_225, %dma_start3A_228] : memref<819200x64xf32, #tpu.memory_space<hbm>> -> memref<256x64xf32, #tpu.memory_space<hbm>>
      tpu.enqueue_dma source(%arg9 : memref<256x64xf32, #tpu.memory_space<vmem>>) target(%dma_start3A_229 : memref<256x64xf32, #tpu.memory_space<hbm>>) target_semaphore(%arg19 : memref<!tpu.dma_semaphore, #tpu.memory_space<semaphore_mem>>)
      %dma_wait3A_230 = arith.constant 0 : i32
      %dma_wait3A_231 = tpu.memref_slice %arg5[%dma_wait3A_230] : memref<25600xi32, #tpu.memory_space<vmem>> -> memref<128xi32, #tpu.memory_space<vmem>>
      %dma_wait3A_232 = arith.constant 0 : i32
      %dma_wait3A_233 = arith.constant 0 : i32
      %dma_wait3A_234 = tpu.memref_slice %arg3[%dma_wait3A_232, %dma_wait3A_233] : memref<100000x64xf32, #tpu.memory_space<hbm>> -> memref<100000x64xf32, #tpu.memory_space<hbm>>
      tpu.wait_indirect_dma semaphore(%arg15 : memref<!tpu.dma_semaphore, #tpu.memory_space<semaphore_mem>>) src(%dma_wait3A_234 : memref<100000x64xf32, #tpu.memory_space<hbm>>) dst(%arg10 : memref<256x64xf32, #tpu.memory_space<vmem>>)
      %add3A_235 = arith.constant 4 : i32
      %add3A_236 = arith.addi %mul3A_173, %add3A_235 : i32
      %mul3A_237 = arith.constant 256 : i32
      %mul3A_238 = arith.muli %add3A_236, %mul3A_237 : i32
      %add3A_239 = arith.addi %mul3A_2, %mul3A_238 : i32
      %dma_start3A_240 = arith.constant 0 : i32
      %dma_start3A_241 = tpu.memref_slice %arg4[%add3A_239, %dma_start3A_240] : memref<819200x64xf32, #tpu.memory_space<hbm>> -> memref<256x64xf32, #tpu.memory_space<hbm>>
      %dma_start3A_242 = arith.constant 0 : i32
      %dma_start3A_243 = tpu.memref_slice %arg4[%add3A_239, %dma_start3A_242] : memref<819200x64xf32, #tpu.memory_space<hbm>> -> memref<256x64xf32, #tpu.memory_space<hbm>>
      tpu.enqueue_dma source(%arg10 : memref<256x64xf32, #tpu.memory_space<vmem>>) target(%dma_start3A_243 : memref<256x64xf32, #tpu.memory_space<hbm>>) target_semaphore(%arg20 : memref<!tpu.dma_semaphore, #tpu.memory_space<semaphore_mem>>)
      %dma_wait3A_244 = arith.constant 0 : i32
      %dma_wait3A_245 = arith.constant 0 : i32
      %dma_wait3A_246 = tpu.memref_slice %arg4[%dma_wait3A_244, %dma_wait3A_245] : memref<819200x64xf32, #tpu.memory_space<hbm>> -> memref<256x64xf32, #tpu.memory_space<hbm>>
      %dma_wait3A_247 = arith.constant 0 : i32
      %dma_wait3A_248 = arith.constant 0 : i32
      %dma_wait3A_249 = tpu.memref_slice %arg4[%dma_wait3A_247, %dma_wait3A_248] : memref<819200x64xf32, #tpu.memory_space<hbm>> -> memref<256x64xf32, #tpu.memory_space<hbm>>
      tpu.wait_dma2 semaphore(%arg16 : memref<!tpu.dma_semaphore, #tpu.memory_space<semaphore_mem>>) src(%arg6 : memref<256x64xf32, #tpu.memory_space<vmem>>) dst(%dma_wait3A_249 : memref<256x64xf32, #tpu.memory_space<hbm>>)
      %add3A_250 = arith.constant 5 : i32
      %add3A_251 = arith.addi %mul3A_173, %add3A_250 : i32
      %add3A_252 = arith.constant 0 : i32
      %add3A_253 = arith.addi %add3A_251, %add3A_252 : i32
      %mul3A_254 = arith.constant 256 : i32
      %mul3A_255 = arith.muli %add3A_253, %mul3A_254 : i32
      %add3A_256 = arith.constant 0 : i32
      %add3A_257 = arith.addi %mul3A_255, %add3A_256 : i32
      %dma_start3A_258 = arith.constant 0 : i32
      %dma_start3A_259 = arith.constant 0 : i32
      %dma_start3A_260 = tpu.memref_slice %arg6[%dma_start3A_258, %dma_start3A_259] : memref<256x64xf32, #tpu.memory_space<vmem>> -> memref<128x64xf32, #tpu.memory_space<vmem>>
      %dma_start3A_261 = tpu.memref_slice %arg5[%add3A_257] : memref<25600xi32, #tpu.memory_space<vmem>> -> memref<128xi32, #tpu.memory_space<vmem>>
      %dma_start3A_262 = arith.constant 0 : i32
      %dma_start3A_263 = arith.constant 0 : i32
      %dma_start3A_264 = tpu.memref_slice %arg3[%dma_start3A_262, %dma_start3A_263] : memref<100000x64xf32, #tpu.memory_space<hbm>> -> memref<100000x64xf32, #tpu.memory_space<hbm>>
      tpu.enqueue_indirect_dma source(%dma_start3A_264 : memref<100000x64xf32, #tpu.memory_space<hbm>>) target(%dma_start3A_260 : memref<128x64xf32, #tpu.memory_space<vmem>>) offsets(%dma_start3A_261 : memref<128xi32, #tpu.memory_space<vmem>>) semaphore(%arg11 : memref<!tpu.dma_semaphore, #tpu.memory_space<semaphore_mem>>)
      %mul3A_265 = arith.constant 256 : i32
      %mul3A_266 = arith.muli %add3A_253, %mul3A_265 : i32
      %add3A_267 = arith.constant 128 : i32
      %add3A_268 = arith.addi %mul3A_266, %add3A_267 : i32
      %dma_start3A_269 = arith.constant 128 : i32
      %dma_start3A_270 = arith.constant 0 : i32
      %dma_start3A_271 = tpu.memref_slice %arg6[%dma_start3A_269, %dma_start3A_270] : memref<256x64xf32, #tpu.memory_space<vmem>> -> memref<128x64xf32, #tpu.memory_space<vmem>>
      %dma_start3A_272 = tpu.memref_slice %arg5[%add3A_268] : memref<25600xi32, #tpu.memory_space<vmem>> -> memref<128xi32, #tpu.memory_space<vmem>>
      %dma_start3A_273 = arith.constant 0 : i32
      %dma_start3A_274 = arith.constant 0 : i32
      %dma_start3A_275 = tpu.memref_slice %arg3[%dma_start3A_273, %dma_start3A_274] : memref<100000x64xf32, #tpu.memory_space<hbm>> -> memref<100000x64xf32, #tpu.memory_space<hbm>>
      tpu.enqueue_indirect_dma source(%dma_start3A_275 : memref<100000x64xf32, #tpu.memory_space<hbm>>) target(%dma_start3A_271 : memref<128x64xf32, #tpu.memory_space<vmem>>) offsets(%dma_start3A_272 : memref<128xi32, #tpu.memory_space<vmem>>) semaphore(%arg11 : memref<!tpu.dma_semaphore, #tpu.memory_space<semaphore_mem>>)
      %dma_wait3A_276 = arith.constant 0 : i32
      %dma_wait3A_277 = arith.constant 0 : i32
      %dma_wait3A_278 = tpu.memref_slice %arg4[%dma_wait3A_276, %dma_wait3A_277] : memref<819200x64xf32, #tpu.memory_space<hbm>> -> memref<256x64xf32, #tpu.memory_space<hbm>>
      %dma_wait3A_279 = arith.constant 0 : i32
      %dma_wait3A_280 = arith.constant 0 : i32
      %dma_wait3A_281 = tpu.memref_slice %arg4[%dma_wait3A_279, %dma_wait3A_280] : memref<819200x64xf32, #tpu.memory_space<hbm>> -> memref<256x64xf32, #tpu.memory_space<hbm>>
      tpu.wait_dma2 semaphore(%arg17 : memref<!tpu.dma_semaphore, #tpu.memory_space<semaphore_mem>>) src(%arg7 : memref<256x64xf32, #tpu.memory_space<vmem>>) dst(%dma_wait3A_281 : memref<256x64xf32, #tpu.memory_space<hbm>>)
      %add3A_282 = arith.constant 5 : i32
      %add3A_283 = arith.addi %mul3A_173, %add3A_282 : i32
      %add3A_284 = arith.constant 1 : i32
      %add3A_285 = arith.addi %add3A_283, %add3A_284 : i32
      %mul3A_286 = arith.constant 256 : i32
      %mul3A_287 = arith.muli %add3A_285, %mul3A_286 : i32
      %add3A_288 = arith.constant 0 : i32
      %add3A_289 = arith.addi %mul3A_287, %add3A_288 : i32
      %dma_start3A_290 = arith.constant 0 : i32
      %dma_start3A_291 = arith.constant 0 : i32
      %dma_start3A_292 = tpu.memref_slice %arg7[%dma_start3A_290, %dma_start3A_291] : memref<256x64xf32, #tpu.memory_space<vmem>> -> memref<128x64xf32, #tpu.memory_space<vmem>>
      %dma_start3A_293 = tpu.memref_slice %arg5[%add3A_289] : memref<25600xi32, #tpu.memory_space<vmem>> -> memref<128xi32, #tpu.memory_space<vmem>>
      %dma_start3A_294 = arith.constant 0 : i32
      %dma_start3A_295 = arith.constant 0 : i32
      %dma_start3A_296 = tpu.memref_slice %arg3[%dma_start3A_294, %dma_start3A_295] : memref<100000x64xf32, #tpu.memory_space<hbm>> -> memref<100000x64xf32, #tpu.memory_space<hbm>>
      tpu.enqueue_indirect_dma source(%dma_start3A_296 : memref<100000x64xf32, #tpu.memory_space<hbm>>) target(%dma_start3A_292 : memref<128x64xf32, #tpu.memory_space<vmem>>) offsets(%dma_start3A_293 : memref<128xi32, #tpu.memory_space<vmem>>) semaphore(%arg12 : memref<!tpu.dma_semaphore, #tpu.memory_space<semaphore_mem>>)
      %mul3A_297 = arith.constant 256 : i32
      %mul3A_298 = arith.muli %add3A_285, %mul3A_297 : i32
      %add3A_299 = arith.constant 128 : i32
      %add3A_300 = arith.addi %mul3A_298, %add3A_299 : i32
      %dma_start3A_301 = arith.constant 128 : i32
      %dma_start3A_302 = arith.constant 0 : i32
      %dma_start3A_303 = tpu.memref_slice %arg7[%dma_start3A_301, %dma_start3A_302] : memref<256x64xf32, #tpu.memory_space<vmem>> -> memref<128x64xf32, #tpu.memory_space<vmem>>
      %dma_start3A_304 = tpu.memref_slice %arg5[%add3A_300] : memref<25600xi32, #tpu.memory_space<vmem>> -> memref<128xi32, #tpu.memory_space<vmem>>
      %dma_start3A_305 = arith.constant 0 : i32
      %dma_start3A_306 = arith.constant 0 : i32
      %dma_start3A_307 = tpu.memref_slice %arg3[%dma_start3A_305, %dma_start3A_306] : memref<100000x64xf32, #tpu.memory_space<hbm>> -> memref<100000x64xf32, #tpu.memory_space<hbm>>
      tpu.enqueue_indirect_dma source(%dma_start3A_307 : memref<100000x64xf32, #tpu.memory_space<hbm>>) target(%dma_start3A_303 : memref<128x64xf32, #tpu.memory_space<vmem>>) offsets(%dma_start3A_304 : memref<128xi32, #tpu.memory_space<vmem>>) semaphore(%arg12 : memref<!tpu.dma_semaphore, #tpu.memory_space<semaphore_mem>>)
      %dma_wait3A_308 = arith.constant 0 : i32
      %dma_wait3A_309 = arith.constant 0 : i32
      %dma_wait3A_310 = tpu.memref_slice %arg4[%dma_wait3A_308, %dma_wait3A_309] : memref<819200x64xf32, #tpu.memory_space<hbm>> -> memref<256x64xf32, #tpu.memory_space<hbm>>
      %dma_wait3A_311 = arith.constant 0 : i32
      %dma_wait3A_312 = arith.constant 0 : i32
      %dma_wait3A_313 = tpu.memref_slice %arg4[%dma_wait3A_311, %dma_wait3A_312] : memref<819200x64xf32, #tpu.memory_space<hbm>> -> memref<256x64xf32, #tpu.memory_space<hbm>>
      tpu.wait_dma2 semaphore(%arg18 : memref<!tpu.dma_semaphore, #tpu.memory_space<semaphore_mem>>) src(%arg8 : memref<256x64xf32, #tpu.memory_space<vmem>>) dst(%dma_wait3A_313 : memref<256x64xf32, #tpu.memory_space<hbm>>)
      %add3A_314 = arith.constant 5 : i32
      %add3A_315 = arith.addi %mul3A_173, %add3A_314 : i32
      %add3A_316 = arith.constant 2 : i32
      %add3A_317 = arith.addi %add3A_315, %add3A_316 : i32
      %mul3A_318 = arith.constant 256 : i32
      %mul3A_319 = arith.muli %add3A_317, %mul3A_318 : i32
      %add3A_320 = arith.constant 0 : i32
      %add3A_321 = arith.addi %mul3A_319, %add3A_320 : i32
      %dma_start3A_322 = arith.constant 0 : i32
      %dma_start3A_323 = arith.constant 0 : i32
      %dma_start3A_324 = tpu.memref_slice %arg8[%dma_start3A_322, %dma_start3A_323] : memref<256x64xf32, #tpu.memory_space<vmem>> -> memref<128x64xf32, #tpu.memory_space<vmem>>
      %dma_start3A_325 = tpu.memref_slice %arg5[%add3A_321] : memref<25600xi32, #tpu.memory_space<vmem>> -> memref<128xi32, #tpu.memory_space<vmem>>
      %dma_start3A_326 = arith.constant 0 : i32
      %dma_start3A_327 = arith.constant 0 : i32
      %dma_start3A_328 = tpu.memref_slice %arg3[%dma_start3A_326, %dma_start3A_327] : memref<100000x64xf32, #tpu.memory_space<hbm>> -> memref<100000x64xf32, #tpu.memory_space<hbm>>
      tpu.enqueue_indirect_dma source(%dma_start3A_328 : memref<100000x64xf32, #tpu.memory_space<hbm>>) target(%dma_start3A_324 : memref<128x64xf32, #tpu.memory_space<vmem>>) offsets(%dma_start3A_325 : memref<128xi32, #tpu.memory_space<vmem>>) semaphore(%arg13 : memref<!tpu.dma_semaphore, #tpu.memory_space<semaphore_mem>>)
      %mul3A_329 = arith.constant 256 : i32
      %mul3A_330 = arith.muli %add3A_317, %mul3A_329 : i32
      %add3A_331 = arith.constant 128 : i32
      %add3A_332 = arith.addi %mul3A_330, %add3A_331 : i32
      %dma_start3A_333 = arith.constant 128 : i32
      %dma_start3A_334 = arith.constant 0 : i32
      %dma_start3A_335 = tpu.memref_slice %arg8[%dma_start3A_333, %dma_start3A_334] : memref<256x64xf32, #tpu.memory_space<vmem>> -> memref<128x64xf32, #tpu.memory_space<vmem>>
      %dma_start3A_336 = tpu.memref_slice %arg5[%add3A_332] : memref<25600xi32, #tpu.memory_space<vmem>> -> memref<128xi32, #tpu.memory_space<vmem>>
      %dma_start3A_337 = arith.constant 0 : i32
      %dma_start3A_338 = arith.constant 0 : i32
      %dma_start3A_339 = tpu.memref_slice %arg3[%dma_start3A_337, %dma_start3A_338] : memref<100000x64xf32, #tpu.memory_space<hbm>> -> memref<100000x64xf32, #tpu.memory_space<hbm>>
      tpu.enqueue_indirect_dma source(%dma_start3A_339 : memref<100000x64xf32, #tpu.memory_space<hbm>>) target(%dma_start3A_335 : memref<128x64xf32, #tpu.memory_space<vmem>>) offsets(%dma_start3A_336 : memref<128xi32, #tpu.memory_space<vmem>>) semaphore(%arg13 : memref<!tpu.dma_semaphore, #tpu.memory_space<semaphore_mem>>)
      %dma_wait3A_340 = arith.constant 0 : i32
      %dma_wait3A_341 = arith.constant 0 : i32
      %dma_wait3A_342 = tpu.memref_slice %arg4[%dma_wait3A_340, %dma_wait3A_341] : memref<819200x64xf32, #tpu.memory_space<hbm>> -> memref<256x64xf32, #tpu.memory_space<hbm>>
      %dma_wait3A_343 = arith.constant 0 : i32
      %dma_wait3A_344 = arith.constant 0 : i32
      %dma_wait3A_345 = tpu.memref_slice %arg4[%dma_wait3A_343, %dma_wait3A_344] : memref<819200x64xf32, #tpu.memory_space<hbm>> -> memref<256x64xf32, #tpu.memory_space<hbm>>
      tpu.wait_dma2 semaphore(%arg19 : memref<!tpu.dma_semaphore, #tpu.memory_space<semaphore_mem>>) src(%arg9 : memref<256x64xf32, #tpu.memory_space<vmem>>) dst(%dma_wait3A_345 : memref<256x64xf32, #tpu.memory_space<hbm>>)
      %add3A_346 = arith.constant 5 : i32
      %add3A_347 = arith.addi %mul3A_173, %add3A_346 : i32
      %add3A_348 = arith.constant 3 : i32
      %add3A_349 = arith.addi %add3A_347, %add3A_348 : i32
      %mul3A_350 = arith.constant 256 : i32
      %mul3A_351 = arith.muli %add3A_349, %mul3A_350 : i32
      %add3A_352 = arith.constant 0 : i32
      %add3A_353 = arith.addi %mul3A_351, %add3A_352 : i32
      %dma_start3A_354 = arith.constant 0 : i32
      %dma_start3A_355 = arith.constant 0 : i32
      %dma_start3A_356 = tpu.memref_slice %arg9[%dma_start3A_354, %dma_start3A_355] : memref<256x64xf32, #tpu.memory_space<vmem>> -> memref<128x64xf32, #tpu.memory_space<vmem>>
      %dma_start3A_357 = tpu.memref_slice %arg5[%add3A_353] : memref<25600xi32, #tpu.memory_space<vmem>> -> memref<128xi32, #tpu.memory_space<vmem>>
      %dma_start3A_358 = arith.constant 0 : i32
      %dma_start3A_359 = arith.constant 0 : i32
      %dma_start3A_360 = tpu.memref_slice %arg3[%dma_start3A_358, %dma_start3A_359] : memref<100000x64xf32, #tpu.memory_space<hbm>> -> memref<100000x64xf32, #tpu.memory_space<hbm>>
      tpu.enqueue_indirect_dma source(%dma_start3A_360 : memref<100000x64xf32, #tpu.memory_space<hbm>>) target(%dma_start3A_356 : memref<128x64xf32, #tpu.memory_space<vmem>>) offsets(%dma_start3A_357 : memref<128xi32, #tpu.memory_space<vmem>>) semaphore(%arg14 : memref<!tpu.dma_semaphore, #tpu.memory_space<semaphore_mem>>)
      %mul3A_361 = arith.constant 256 : i32
      %mul3A_362 = arith.muli %add3A_349, %mul3A_361 : i32
      %add3A_363 = arith.constant 128 : i32
      %add3A_364 = arith.addi %mul3A_362, %add3A_363 : i32
      %dma_start3A_365 = arith.constant 128 : i32
      %dma_start3A_366 = arith.constant 0 : i32
      %dma_start3A_367 = tpu.memref_slice %arg9[%dma_start3A_365, %dma_start3A_366] : memref<256x64xf32, #tpu.memory_space<vmem>> -> memref<128x64xf32, #tpu.memory_space<vmem>>
      %dma_start3A_368 = tpu.memref_slice %arg5[%add3A_364] : memref<25600xi32, #tpu.memory_space<vmem>> -> memref<128xi32, #tpu.memory_space<vmem>>
      %dma_start3A_369 = arith.constant 0 : i32
      %dma_start3A_370 = arith.constant 0 : i32
      %dma_start3A_371 = tpu.memref_slice %arg3[%dma_start3A_369, %dma_start3A_370] : memref<100000x64xf32, #tpu.memory_space<hbm>> -> memref<100000x64xf32, #tpu.memory_space<hbm>>
      tpu.enqueue_indirect_dma source(%dma_start3A_371 : memref<100000x64xf32, #tpu.memory_space<hbm>>) target(%dma_start3A_367 : memref<128x64xf32, #tpu.memory_space<vmem>>) offsets(%dma_start3A_368 : memref<128xi32, #tpu.memory_space<vmem>>) semaphore(%arg14 : memref<!tpu.dma_semaphore, #tpu.memory_space<semaphore_mem>>)
      %dma_wait3A_372 = arith.constant 0 : i32
      %dma_wait3A_373 = arith.constant 0 : i32
      %dma_wait3A_374 = tpu.memref_slice %arg4[%dma_wait3A_372, %dma_wait3A_373] : memref<819200x64xf32, #tpu.memory_space<hbm>> -> memref<256x64xf32, #tpu.memory_space<hbm>>
      %dma_wait3A_375 = arith.constant 0 : i32
      %dma_wait3A_376 = arith.constant 0 : i32
      %dma_wait3A_377 = tpu.memref_slice %arg4[%dma_wait3A_375, %dma_wait3A_376] : memref<819200x64xf32, #tpu.memory_space<hbm>> -> memref<256x64xf32, #tpu.memory_space<hbm>>
      tpu.wait_dma2 semaphore(%arg20 : memref<!tpu.dma_semaphore, #tpu.memory_space<semaphore_mem>>) src(%arg10 : memref<256x64xf32, #tpu.memory_space<vmem>>) dst(%dma_wait3A_377 : memref<256x64xf32, #tpu.memory_space<hbm>>)
      %add3A_378 = arith.constant 5 : i32
      %add3A_379 = arith.addi %mul3A_173, %add3A_378 : i32
      %add3A_380 = arith.constant 4 : i32
      %add3A_381 = arith.addi %add3A_379, %add3A_380 : i32
      %mul3A_382 = arith.constant 256 : i32
      %mul3A_383 = arith.muli %add3A_381, %mul3A_382 : i32
      %add3A_384 = arith.constant 0 : i32
      %add3A_385 = arith.addi %mul3A_383, %add3A_384 : i32
      %dma_start3A_386 = arith.constant 0 : i32
      %dma_start3A_387 = arith.constant 0 : i32
      %dma_start3A_388 = tpu.memref_slice %arg10[%dma_start3A_386, %dma_start3A_387] : memref<256x64xf32, #tpu.memory_space<vmem>> -> memref<128x64xf32, #tpu.memory_space<vmem>>
      %dma_start3A_389 = tpu.memref_slice %arg5[%add3A_385] : memref<25600xi32, #tpu.memory_space<vmem>> -> memref<128xi32, #tpu.memory_space<vmem>>
      %dma_start3A_390 = arith.constant 0 : i32
      %dma_start3A_391 = arith.constant 0 : i32
      %dma_start3A_392 = tpu.memref_slice %arg3[%dma_start3A_390, %dma_start3A_391] : memref<100000x64xf32, #tpu.memory_space<hbm>> -> memref<100000x64xf32, #tpu.memory_space<hbm>>
      tpu.enqueue_indirect_dma source(%dma_start3A_392 : memref<100000x64xf32, #tpu.memory_space<hbm>>) target(%dma_start3A_388 : memref<128x64xf32, #tpu.memory_space<vmem>>) offsets(%dma_start3A_389 : memref<128xi32, #tpu.memory_space<vmem>>) semaphore(%arg15 : memref<!tpu.dma_semaphore, #tpu.memory_space<semaphore_mem>>)
      %mul3A_393 = arith.constant 256 : i32
      %mul3A_394 = arith.muli %add3A_381, %mul3A_393 : i32
      %add3A_395 = arith.constant 128 : i32
      %add3A_396 = arith.addi %mul3A_394, %add3A_395 : i32
      %dma_start3A_397 = arith.constant 128 : i32
      %dma_start3A_398 = arith.constant 0 : i32
      %dma_start3A_399 = tpu.memref_slice %arg10[%dma_start3A_397, %dma_start3A_398] : memref<256x64xf32, #tpu.memory_space<vmem>> -> memref<128x64xf32, #tpu.memory_space<vmem>>
      %dma_start3A_400 = tpu.memref_slice %arg5[%add3A_396] : memref<25600xi32, #tpu.memory_space<vmem>> -> memref<128xi32, #tpu.memory_space<vmem>>
      %dma_start3A_401 = arith.constant 0 : i32
      %dma_start3A_402 = arith.constant 0 : i32
      %dma_start3A_403 = tpu.memref_slice %arg3[%dma_start3A_401, %dma_start3A_402] : memref<100000x64xf32, #tpu.memory_space<hbm>> -> memref<100000x64xf32, #tpu.memory_space<hbm>>
      tpu.enqueue_indirect_dma source(%dma_start3A_403 : memref<100000x64xf32, #tpu.memory_space<hbm>>) target(%dma_start3A_399 : memref<128x64xf32, #tpu.memory_space<vmem>>) offsets(%dma_start3A_400 : memref<128xi32, #tpu.memory_space<vmem>>) semaphore(%arg15 : memref<!tpu.dma_semaphore, #tpu.memory_space<semaphore_mem>>)
    }
    %scan3A_86 = arith.constant 19 : i32
    %dma_wait3A = arith.constant 0 : i32
    %dma_wait3A_87 = tpu.memref_slice %arg5[%dma_wait3A] : memref<25600xi32, #tpu.memory_space<vmem>> -> memref<128xi32, #tpu.memory_space<vmem>>
    %dma_wait3A_88 = arith.constant 0 : i32
    %dma_wait3A_89 = arith.constant 0 : i32
    %dma_wait3A_90 = tpu.memref_slice %arg3[%dma_wait3A_88, %dma_wait3A_89] : memref<100000x64xf32, #tpu.memory_space<hbm>> -> memref<100000x64xf32, #tpu.memory_space<hbm>>
    tpu.wait_indirect_dma semaphore(%arg11 : memref<!tpu.dma_semaphore, #tpu.memory_space<semaphore_mem>>) src(%dma_wait3A_90 : memref<100000x64xf32, #tpu.memory_space<hbm>>) dst(%arg6 : memref<256x64xf32, #tpu.memory_space<vmem>>)
    %add3A_91 = arith.constant 24320 : i32
    %add3A_92 = arith.addi %mul3A_2, %add3A_91 : i32
    %dma_start3A_93 = arith.constant 0 : i32
    %dma_start3A_94 = tpu.memref_slice %arg4[%add3A_92, %dma_start3A_93] : memref<819200x64xf32, #tpu.memory_space<hbm>> -> memref<256x64xf32, #tpu.memory_space<hbm>>
    %dma_start3A_95 = arith.constant 0 : i32
    %dma_start3A_96 = tpu.memref_slice %arg4[%add3A_92, %dma_start3A_95] : memref<819200x64xf32, #tpu.memory_space<hbm>> -> memref<256x64xf32, #tpu.memory_space<hbm>>
    tpu.enqueue_dma source(%arg6 : memref<256x64xf32, #tpu.memory_space<vmem>>) target(%dma_start3A_96 : memref<256x64xf32, #tpu.memory_space<hbm>>) target_semaphore(%arg16 : memref<!tpu.dma_semaphore, #tpu.memory_space<semaphore_mem>>)
    %dma_wait3A_97 = arith.constant 0 : i32
    %dma_wait3A_98 = tpu.memref_slice %arg5[%dma_wait3A_97] : memref<25600xi32, #tpu.memory_space<vmem>> -> memref<128xi32, #tpu.memory_space<vmem>>
    %dma_wait3A_99 = arith.constant 0 : i32
    %dma_wait3A_100 = arith.constant 0 : i32
    %dma_wait3A_101 = tpu.memref_slice %arg3[%dma_wait3A_99, %dma_wait3A_100] : memref<100000x64xf32, #tpu.memory_space<hbm>> -> memref<100000x64xf32, #tpu.memory_space<hbm>>
    tpu.wait_indirect_dma semaphore(%arg12 : memref<!tpu.dma_semaphore, #tpu.memory_space<semaphore_mem>>) src(%dma_wait3A_101 : memref<100000x64xf32, #tpu.memory_space<hbm>>) dst(%arg7 : memref<256x64xf32, #tpu.memory_space<vmem>>)
    %add3A_102 = arith.constant 24576 : i32
    %add3A_103 = arith.addi %mul3A_2, %add3A_102 : i32
    %dma_start3A_104 = arith.constant 0 : i32
    %dma_start3A_105 = tpu.memref_slice %arg4[%add3A_103, %dma_start3A_104] : memref<819200x64xf32, #tpu.memory_space<hbm>> -> memref<256x64xf32, #tpu.memory_space<hbm>>
    %dma_start3A_106 = arith.constant 0 : i32
    %dma_start3A_107 = tpu.memref_slice %arg4[%add3A_103, %dma_start3A_106] : memref<819200x64xf32, #tpu.memory_space<hbm>> -> memref<256x64xf32, #tpu.memory_space<hbm>>
    tpu.enqueue_dma source(%arg7 : memref<256x64xf32, #tpu.memory_space<vmem>>) target(%dma_start3A_107 : memref<256x64xf32, #tpu.memory_space<hbm>>) target_semaphore(%arg17 : memref<!tpu.dma_semaphore, #tpu.memory_space<semaphore_mem>>)
    %dma_wait3A_108 = arith.constant 0 : i32
    %dma_wait3A_109 = tpu.memref_slice %arg5[%dma_wait3A_108] : memref<25600xi32, #tpu.memory_space<vmem>> -> memref<128xi32, #tpu.memory_space<vmem>>
    %dma_wait3A_110 = arith.constant 0 : i32
    %dma_wait3A_111 = arith.constant 0 : i32
    %dma_wait3A_112 = tpu.memref_slice %arg3[%dma_wait3A_110, %dma_wait3A_111] : memref<100000x64xf32, #tpu.memory_space<hbm>> -> memref<100000x64xf32, #tpu.memory_space<hbm>>
    tpu.wait_indirect_dma semaphore(%arg13 : memref<!tpu.dma_semaphore, #tpu.memory_space<semaphore_mem>>) src(%dma_wait3A_112 : memref<100000x64xf32, #tpu.memory_space<hbm>>) dst(%arg8 : memref<256x64xf32, #tpu.memory_space<vmem>>)
    %add3A_113 = arith.constant 24832 : i32
    %add3A_114 = arith.addi %mul3A_2, %add3A_113 : i32
    %dma_start3A_115 = arith.constant 0 : i32
    %dma_start3A_116 = tpu.memref_slice %arg4[%add3A_114, %dma_start3A_115] : memref<819200x64xf32, #tpu.memory_space<hbm>> -> memref<256x64xf32, #tpu.memory_space<hbm>>
    %dma_start3A_117 = arith.constant 0 : i32
    %dma_start3A_118 = tpu.memref_slice %arg4[%add3A_114, %dma_start3A_117] : memref<819200x64xf32, #tpu.memory_space<hbm>> -> memref<256x64xf32, #tpu.memory_space<hbm>>
    tpu.enqueue_dma source(%arg8 : memref<256x64xf32, #tpu.memory_space<vmem>>) target(%dma_start3A_118 : memref<256x64xf32, #tpu.memory_space<hbm>>) target_semaphore(%arg18 : memref<!tpu.dma_semaphore, #tpu.memory_space<semaphore_mem>>)
    %dma_wait3A_119 = arith.constant 0 : i32
    %dma_wait3A_120 = tpu.memref_slice %arg5[%dma_wait3A_119] : memref<25600xi32, #tpu.memory_space<vmem>> -> memref<128xi32, #tpu.memory_space<vmem>>
    %dma_wait3A_121 = arith.constant 0 : i32
    %dma_wait3A_122 = arith.constant 0 : i32
    %dma_wait3A_123 = tpu.memref_slice %arg3[%dma_wait3A_121, %dma_wait3A_122] : memref<100000x64xf32, #tpu.memory_space<hbm>> -> memref<100000x64xf32, #tpu.memory_space<hbm>>
    tpu.wait_indirect_dma semaphore(%arg14 : memref<!tpu.dma_semaphore, #tpu.memory_space<semaphore_mem>>) src(%dma_wait3A_123 : memref<100000x64xf32, #tpu.memory_space<hbm>>) dst(%arg9 : memref<256x64xf32, #tpu.memory_space<vmem>>)
    %add3A_124 = arith.constant 25088 : i32
    %add3A_125 = arith.addi %mul3A_2, %add3A_124 : i32
    %dma_start3A_126 = arith.constant 0 : i32
    %dma_start3A_127 = tpu.memref_slice %arg4[%add3A_125, %dma_start3A_126] : memref<819200x64xf32, #tpu.memory_space<hbm>> -> memref<256x64xf32, #tpu.memory_space<hbm>>
    %dma_start3A_128 = arith.constant 0 : i32
    %dma_start3A_129 = tpu.memref_slice %arg4[%add3A_125, %dma_start3A_128] : memref<819200x64xf32, #tpu.memory_space<hbm>> -> memref<256x64xf32, #tpu.memory_space<hbm>>
    tpu.enqueue_dma source(%arg9 : memref<256x64xf32, #tpu.memory_space<vmem>>) target(%dma_start3A_129 : memref<256x64xf32, #tpu.memory_space<hbm>>) target_semaphore(%arg19 : memref<!tpu.dma_semaphore, #tpu.memory_space<semaphore_mem>>)
    %dma_wait3A_130 = arith.constant 0 : i32
    %dma_wait3A_131 = tpu.memref_slice %arg5[%dma_wait3A_130] : memref<25600xi32, #tpu.memory_space<vmem>> -> memref<128xi32, #tpu.memory_space<vmem>>
    %dma_wait3A_132 = arith.constant 0 : i32
    %dma_wait3A_133 = arith.constant 0 : i32
    %dma_wait3A_134 = tpu.memref_slice %arg3[%dma_wait3A_132, %dma_wait3A_133] : memref<100000x64xf32, #tpu.memory_space<hbm>> -> memref<100000x64xf32, #tpu.memory_space<hbm>>
    tpu.wait_indirect_dma semaphore(%arg15 : memref<!tpu.dma_semaphore, #tpu.memory_space<semaphore_mem>>) src(%dma_wait3A_134 : memref<100000x64xf32, #tpu.memory_space<hbm>>) dst(%arg10 : memref<256x64xf32, #tpu.memory_space<vmem>>)
    %add3A_135 = arith.constant 25344 : i32
    %add3A_136 = arith.addi %mul3A_2, %add3A_135 : i32
    %dma_start3A_137 = arith.constant 0 : i32
    %dma_start3A_138 = tpu.memref_slice %arg4[%add3A_136, %dma_start3A_137] : memref<819200x64xf32, #tpu.memory_space<hbm>> -> memref<256x64xf32, #tpu.memory_space<hbm>>
    %dma_start3A_139 = arith.constant 0 : i32
    %dma_start3A_140 = tpu.memref_slice %arg4[%add3A_136, %dma_start3A_139] : memref<819200x64xf32, #tpu.memory_space<hbm>> -> memref<256x64xf32, #tpu.memory_space<hbm>>
    tpu.enqueue_dma source(%arg10 : memref<256x64xf32, #tpu.memory_space<vmem>>) target(%dma_start3A_140 : memref<256x64xf32, #tpu.memory_space<hbm>>) target_semaphore(%arg20 : memref<!tpu.dma_semaphore, #tpu.memory_space<semaphore_mem>>)
    %dma_wait3A_141 = arith.constant 0 : i32
    %dma_wait3A_142 = arith.constant 0 : i32
    %dma_wait3A_143 = tpu.memref_slice %arg4[%dma_wait3A_141, %dma_wait3A_142] : memref<819200x64xf32, #tpu.memory_space<hbm>> -> memref<256x64xf32, #tpu.memory_space<hbm>>
    %dma_wait3A_144 = arith.constant 0 : i32
    %dma_wait3A_145 = arith.constant 0 : i32
    %dma_wait3A_146 = tpu.memref_slice %arg4[%dma_wait3A_144, %dma_wait3A_145] : memref<819200x64xf32, #tpu.memory_space<hbm>> -> memref<256x64xf32, #tpu.memory_space<hbm>>
    tpu.wait_dma2 semaphore(%arg16 : memref<!tpu.dma_semaphore, #tpu.memory_space<semaphore_mem>>) src(%arg6 : memref<256x64xf32, #tpu.memory_space<vmem>>) dst(%dma_wait3A_146 : memref<256x64xf32, #tpu.memory_space<hbm>>)
    %dma_wait3A_147 = arith.constant 0 : i32
    %dma_wait3A_148 = arith.constant 0 : i32
    %dma_wait3A_149 = tpu.memref_slice %arg4[%dma_wait3A_147, %dma_wait3A_148] : memref<819200x64xf32, #tpu.memory_space<hbm>> -> memref<256x64xf32, #tpu.memory_space<hbm>>
    %dma_wait3A_150 = arith.constant 0 : i32
    %dma_wait3A_151 = arith.constant 0 : i32
    %dma_wait3A_152 = tpu.memref_slice %arg4[%dma_wait3A_150, %dma_wait3A_151] : memref<819200x64xf32, #tpu.memory_space<hbm>> -> memref<256x64xf32, #tpu.memory_space<hbm>>
    tpu.wait_dma2 semaphore(%arg17 : memref<!tpu.dma_semaphore, #tpu.memory_space<semaphore_mem>>) src(%arg7 : memref<256x64xf32, #tpu.memory_space<vmem>>) dst(%dma_wait3A_152 : memref<256x64xf32, #tpu.memory_space<hbm>>)
    %dma_wait3A_153 = arith.constant 0 : i32
    %dma_wait3A_154 = arith.constant 0 : i32
    %dma_wait3A_155 = tpu.memref_slice %arg4[%dma_wait3A_153, %dma_wait3A_154] : memref<819200x64xf32, #tpu.memory_space<hbm>> -> memref<256x64xf32, #tpu.memory_space<hbm>>
    %dma_wait3A_156 = arith.constant 0 : i32
    %dma_wait3A_157 = arith.constant 0 : i32
    %dma_wait3A_158 = tpu.memref_slice %arg4[%dma_wait3A_156, %dma_wait3A_157] : memref<819200x64xf32, #tpu.memory_space<hbm>> -> memref<256x64xf32, #tpu.memory_space<hbm>>
    tpu.wait_dma2 semaphore(%arg18 : memref<!tpu.dma_semaphore, #tpu.memory_space<semaphore_mem>>) src(%arg8 : memref<256x64xf32, #tpu.memory_space<vmem>>) dst(%dma_wait3A_158 : memref<256x64xf32, #tpu.memory_space<hbm>>)
    %dma_wait3A_159 = arith.constant 0 : i32
    %dma_wait3A_160 = arith.constant 0 : i32
    %dma_wait3A_161 = tpu.memref_slice %arg4[%dma_wait3A_159, %dma_wait3A_160] : memref<819200x64xf32, #tpu.memory_space<hbm>> -> memref<256x64xf32, #tpu.memory_space<hbm>>
    %dma_wait3A_162 = arith.constant 0 : i32
    %dma_wait3A_163 = arith.constant 0 : i32
    %dma_wait3A_164 = tpu.memref_slice %arg4[%dma_wait3A_162, %dma_wait3A_163] : memref<819200x64xf32, #tpu.memory_space<hbm>> -> memref<256x64xf32, #tpu.memory_space<hbm>>
    tpu.wait_dma2 semaphore(%arg19 : memref<!tpu.dma_semaphore, #tpu.memory_space<semaphore_mem>>) src(%arg9 : memref<256x64xf32, #tpu.memory_space<vmem>>) dst(%dma_wait3A_164 : memref<256x64xf32, #tpu.memory_space<hbm>>)
    %dma_wait3A_165 = arith.constant 0 : i32
    %dma_wait3A_166 = arith.constant 0 : i32
    %dma_wait3A_167 = tpu.memref_slice %arg4[%dma_wait3A_165, %dma_wait3A_166] : memref<819200x64xf32, #tpu.memory_space<hbm>> -> memref<256x64xf32, #tpu.memory_space<hbm>>
    %dma_wait3A_168 = arith.constant 0 : i32
    %dma_wait3A_169 = arith.constant 0 : i32
    %dma_wait3A_170 = tpu.memref_slice %arg4[%dma_wait3A_168, %dma_wait3A_169] : memref<819200x64xf32, #tpu.memory_space<hbm>> -> memref<256x64xf32, #tpu.memory_space<hbm>>
    tpu.wait_dma2 semaphore(%arg20 : memref<!tpu.dma_semaphore, #tpu.memory_space<semaphore_mem>>) src(%arg10 : memref<256x64xf32, #tpu.memory_space<vmem>>) dst(%dma_wait3A_170 : memref<256x64xf32, #tpu.memory_space<hbm>>)
    return
  }
}

</mosaic_0001>

<sc_bundles>
// kernel: kernel.3.cloned.1.call-start
scs
__scs_entry_jumppad:
0x0: {  	(pc) =	sbr.rel $0x88, $3  }
0x1: {  	(tag) =	ssettag $0x0;
	lr =	simm.s32 $0x1  }
0x2: {  	[smem:$0x3F9F] =	sst lr;
	_ =	strace $0xD0000000  }
0x3: {  	_ = 	snop  }
0x4: {  	_ = 	snop  }
0x5: {  	_ = 	snop  }
0x6: {  	_ = 	snop  }
0x7: {  	_ = 	snop  }
__scs_overlays_trampoline_lowered:
0x8: {  	[smem:$0x3FAE] =	sst s0  }
0x9: {  	[smem:$0x3FAF] =	sst s1  }
0xa: {  	[smem:$0x3FB0] =	sst s2  }
0xb: {  	[smem:$0x3FB1] =	sst s3  }
0xc: {  	[smem:$0x3FB2] =	sst s4  }
0xd: {  	[smem:$0x3FB3] =	sst s5  }
0xe: {  	[smem:$0x3FB4] =	sst s6  }
0xf: {  	[smem:$0x3FB5] =	sst s7  }
0x10: {  	[smem:$0x3FB6] =	sst s8  }
0x11: {  	[smem:$0x3FB7] =	sst s9;
	s0 =	simm.s32 @!p0 $0x0  }
0x12: {  	s1 =	sld [smem:$0x3F9D];
	s0 =	simm.s32 @p0 $0x1  }
0x13: {  	[smem:$0x3FB8] =	sst s0;
	s0 =	simm.s32 @!p1 $0x0  }
0x14: {  	s2 =	sld [smem:$0x3F9C];
	s0 =	simm.s32 @p1 $0x1  }
0x15: {  	[smem:$0x3FB9] =	sst s0;
	s0 =	simm.s32 @!p2 $0x0  }
0x16: {  	s3 =	sld [smem:$0x3FDB];
	s0 =	simm.s32 @p2 $0x1  }
0x17: {  	s4 =	simm.s32 $0x1BF5;
	[smem:$0x3FBB] =	sst s0  }
0x18: {  	s0 =	sld [smem:$0x3F9E];
	_ =	swait.ge [sflag:s4], $0x0  }
0x19: {  	s7 =	sld [smem:$0x3F9F]  }
0x1a: {  	s8 =	sadd.s32 $0xFFFFE003, lr  }
0x1b: {  	s9 =	sadd.s32 $0xFFFFFEF7, lr;
	s5 =	simm.s32 $0xFFFFFFFF;
	p2 =	slt.u32 s8, $0xFFFFF086  }
0x1c: {  	p1 =	slt.u32 s9, $0xF7A;
	s5 =	simm.s32 @!p2 $0x0  }
0x1d: {  	s5 =	simm.s32 @p1 $0x1;
	p0 =	seq.s32 s7, s2  }
0x1e: {  	s7 =	smul.u32 @!p0 $0xF7A, s2;
	p2 =	seq.s32 @!p0 s5, $0x0  }
0x1f: {  	s9 =	smul.u32 $0xF7A, s1;
	s8 =	simm.s32 @!p0 $0x1BF5;
	p2 =	por !p2, p0  }
0x20: {  	[sflag:s8] =	ssyncset.s32 @!p0 $0xFFFFF086;
	s6 =	sadd.s32 @!p0 s3, s7;
	s7 =	simm.s32 @!p0 $0x108  }
0x21: {  	s3 =	sadd.s32 s3, s9;
	s6 =	sadd.s32 @!p0 $0x88, s6;
	s7 =	simm.s32 @p2 $0x1082  }
0x22: {  	[simem:s7], [sflag:s8] =	dma.local @!p0 [hbm:s6], $0xF7A  }
0x23: {  	s9 =	sor.u32 $0xD0000000, s2;
	s6 =	simm.s32 $0x108;
	_ =	swait.ge @!p0 [sflag:s8], $0x0  }
0x24: {  	s3 =	sadd.s32 $0x88, s3;
	s6 =	simm.s32 @!p1 $0x1082;
	[sflag:s4] =	ssyncset.s32 $0xFFFFF086  }
0x25: {  	[simem:s6], [sflag:s4] =	dma.local [hbm:s3], $0xF7A  }
0x26: {  	[smem:$0x3F9F] =	sst s1;
	(tag) =	ssettag s2;
	_ =	strace s9  }
0x27: {  	s1 =	sld [smem:$0x3FAF]  }
0x28: {  	s2 =	sld [smem:$0x3FB0]  }
0x29: {  	s4 =	sld [smem:$0x3FB2]  }
0x2a: {  	p0 =	seq.s32 s5, $0x0;
	s5 =	sld [smem:$0x3FB3]  }
0x2b: {  	s6 =	sld [smem:$0x3FB4]  }
0x2c: {  	s7 =	sld [smem:$0x3FB5]  }
0x2d: {  	s3 =	simm.s32 $0x108;
	s8 =	sld [smem:$0x3FB6]  }
0x2e: {  	s3 =	simm.s32 @!p0 $0x1082;
	s9 =	sld [smem:$0x3FB7]  }
0x2f: {  	lr =	sadd.s32 s0, s3;
	s0 =	sld [smem:$0x3FAE]  }
0x30: {  	s3 =	sld [smem:$0x3FB1]  }
0x31: {  	[smem:$0x3FBA] =	sst s10  }
0x32: {  	s10 =	sld [smem:$0x3FB8];
	_ =	sdelay $0x3  }
0x33: {  	p0 =	seq.s32 s10, $0x1;
	s10 =	sld [smem:$0x3FBA];
	_ =	sdelay $0x3  }
0x34: {  	[smem:$0x3FBA] =	sst s10  }
0x35: {  	s10 =	sld [smem:$0x3FB9];
	_ =	sdelay $0x3  }
0x36: {  	p1 =	seq.s32 s10, $0x1;
	s10 =	sld [smem:$0x3FBA];
	_ =	sdelay $0x3  }
0x37: {  	[smem:$0x3FBA] =	sst s10  }
0x38: {  	s10 =	sld [smem:$0x3FBB]  }
0x39: {  	_ = 	snop;
	(pc) =	sbr.ind lr, $3  }
0x3a: {  	_ = 	snop  }
0x3b: {  	_ = 	snop  }
0x3c: {  	p2 =	seq.s32 s10, $0x1;
	s10 =	sld [smem:$0x3FBA]  }
0x3d: {  	_ =	shalt  }
0x3e: {  	_ =	shalt  }
0x3f: {  	_ =	shalt  }
0x40: {  	_ =	shalt  }
0x41: {  	_ =	shalt  }
0x42: {  	_ =	shalt  }
0x43: {  	_ =	shalt  }
0x44: {  	_ =	shalt  }
0x45: {  	_ =	shalt  }
0x46: {  	_ =	shalt  }
0x47: {  	_ =	shalt  }
0x48: {  	_ =	shalt  }
0x49: {  	_ =	shalt  }
0x4a: {  	_ =	shalt  }
0x4b: {  	_ =	shalt  }
0x4c: {  	_ =	shalt  }
0x4d: {  	_ =	shalt  }
0x4e: {  	_ =	shalt  }
0x4f: {  	_ =	shalt  }
0x50: {  	_ =	shalt  }
0x51: {  	_ =	shalt  }
0x52: {  	_ =	shalt  }
0x53: {  	_ =	shalt  }
0x54: {  	_ =	shalt  }
0x55: {  	_ =	shalt  }
0x56: {  	_ =	shalt  }
0x57: {  	_ =	shalt  }
0x58: {  	_ =	shalt  }
0x59: {  	_ =	shalt  }
0x5a: {  	_ =	shalt  }
0x5b: {  	_ =	shalt  }
0x5c: {  	_ =	shalt  }
0x5d: {  	_ =	shalt  }
0x5e: {  	_ =	shalt  }
0x5f: {  	_ =	shalt  }
0x60: {  	_ =	shalt  }
0x61: {  	_ =	shalt  }
0x62: {  	_ =	shalt  }
0x63: {  	_ =	shalt  }
0x64: {  	_ =	shalt  }
0x65: {  	_ =	shalt  }
0x66: {  	_ =	shalt  }
0x67: {  	_ =	shalt  }
0x68: {  	_ =	shalt  }
0x69: {  	_ =	shalt  }
0x6a: {  	_ =	shalt  }
0x6b: {  	_ =	shalt  }
0x6c: {  	_ =	shalt  }
0x6d: {  	_ =	shalt  }
0x6e: {  	_ =	shalt  }
0x6f: {  	_ =	shalt  }
0x70: {  	_ =	shalt  }
0x71: {  	_ =	shalt  }
0x72: {  	_ =	shalt  }
0x73: {  	_ =	shalt  }
0x74: {  	_ =	shalt  }
0x75: {  	_ =	shalt  }
0x76: {  	_ =	shalt  }
0x77: {  	_ =	shalt  }
0x78: {  	_ =	shalt  }
0x79: {  	_ =	shalt  }
0x7a: {  	_ =	shalt  }
0x7b: {  	_ =	shalt  }
0x7c: {  	_ =	shalt  }
0x7d: {  	_ =	shalt  }
0x7e: {  	_ =	shalt  }
0x7f: {  	_ =	shalt  }
0x80: {  	_ =	shalt  }
0x81: {  	_ =	shalt  }
0x82: {  	_ =	shalt  }
0x83: {  	_ =	shalt  }
0x84: {  	_ =	shalt  }
0x85: {  	_ =	shalt  }
0x86: {  	_ =	shalt  }
0x87: {  	_ =	shalt  }
.Lfunc_end0:
.L_simem_size_0:
called_computation.1_lowered:
.L_overlay_start_0:
0x88: {  	s2 =	sld [smem:$0x3FD9]  }
0x89: {  	s3 =	sld [smem:$0x3FFE];
	_ =	sdelay $0x1  }
0x8a: {  	s1 =	srdreg.scid  }
0x8b: {  	s0 =	sand.u32 $0x1, s1  }
0x8c: {  	s17 =	sshll.u32 s0, $0xA;
	s2 =	sadd.s32 s3, s2  }
0x8d: {  	s2 =	sadd.s32 s2, s17  }
0x8e: {  	[smem:$0x3FC6] =	sst s2  }
0x8f: {  	_ = 	snop  }
0x90: {  	s2 =	sld [smem:$0x3FD0];
	(tm) =	ssettm $0x1  }
0x91: {  	s18 =	sld [smem:$0x3FFB];
	_ =	sdelay $0x3  }
0x92: {  	_ =	strace s18  }
0x93: {  	s3 =	sld [smem:$0x3FFC];
	_ =	sdelay $0x3  }
0x94: {  	_ =	strace s3  }
0x95: {  	s3 =	sld [smem:$0x3FFD];
	_ =	sdelay $0x3  }
0x96: {  	_ =	strace s3  }
0x97: {  	_ =	strace $0x8FFFFFFF  }
0x98: {  	s19 =	sld [smem:$0x3FDB];
	_ =	sdelay $0x1  }
0x99: {  	s4 =	simm.s32 $_scs_section_size  }
0x9a: {  	s5 =	simm.s32 $_size__tile_overlayer_lowered;
	s6 =	simm.s32 $_tile_overlayer_lowered  }
0x9b: {  	s22 =	simm.s32 $0x1BFF;
	s21 =	sshll.u32 s6, $0x1;
	s3 =	sadd.s32 s4, s19  }
0x9c: {  	s7 =	simm.s32 $0x0;
	s20 =	sshll.u32 s5, $0x1;
	s5 =	sadd.s32 s21, s3  }
0x9d: {  	[timem:s7], [sflag:s22] =	dma.local [hbm:s5], s20  }
0x9e: {  	_ =	swait.ge [sflag:s22], s20  }
0x9f: {  	s4 =	ssub.s32 $0x0, s20;
	[sflag:s22] =	ssyncset.done $0x0  }
0xa0: {  	[sflag:s22] =	ssyncadd.s32 s4;
	_ =	sdelay $0x1  }
0xa1: {  	s23 =	simm.s32 $0x1B8B  }
0xa2: {  	_ =	swait.ge [sflag:s23], $0x1  }
0xa3: {  	[sflag:s23] =	ssyncset.done $0x0  }
0xa4: {  	s25 =	simm.s32 $0x1B8E;
	s24 =	sld [smem:$0x3FFE];
	[sflag:s23] =	ssyncadd.s32 $0xFFFFFFFF  }
0xa5: {  	s26 =	simm.s32 $execute0_lowered;
	[smem:$0x3FD2] =	sst s25  }
0xa6: {  	s5 =	sshll.u32 s26, $0x1;
	_ =	strace $0x80000046;
	[dreg:$0x1] =	wrdreg $0xFFFFFFFF  }
0xa7: {  	s28 =	simm.s32 $_size_execute0_lowered;
	s3 =	sadd.s32 s3, s5;
	[dreg:$0x0] =	wrdreg $0x0  }
0xa8: {  	s5 =	sshll.u32 s28, $0x1;
	[dreg:$0x2] =	wrdreg s3  }
0xa9: {  	[dreg:$0x3] =	wrdreg s5  }
0xaa: {  	[dreg:$0x4] =	wrdreg $0xC0  }
0xab: {  	_ =	task [dreg:s7], $0x5FFFF  }
0xac: {  	[dreg:$0x1] =	wrdreg $0xFFFFFFFF  }
0xad: {  	[dreg:$0x0] =	wrdreg $0x60  }
0xae: {  	[dreg:$0x2] =	wrdreg s24  }
0xaf: {  	[dreg:$0x3] =	wrdreg s2  }
0xb0: {  	[dreg:$0x4] =	wrdreg $0x9  }
0xb1: {  	_ =	task.clear_ibuf [dreg:s7], $0x5FFFF;
	_ =	strace $0x90000046  }
0xb2: {  	s29 =	simm.s32 $0x9;
	_ =	strace $0x80000048  }
0xb3: {  	_ =	swait.ge [sflag:s29], $0x1  }
0xb4: {  	[sflag:s29] =	ssyncadd.s32 $0xFFFFFFFF  }
0xb5: {  	_ =	strace $0x90000048  }
0xb6: {  	_ =	sfence  }
0xb7: {  	s30 =	sld [smem:$0x0];
	_ =	sdelay $0x2  }
0xb8: {  	s31 =	sshll.u32 s1, $0xD;
	s1 =	sshrl.u32 s1, $0x2  }
0xb9: {  	s3 =	sand.u32 $0x4000, s31;
	s1 =	sadd.s32 s1, s30  }
0xba: {  	s0 =	sor.u32 s3, s0;
	s1 =	sshll.u32 s1, $0x11  }
0xbb: {  	s0 =	sor.u32 s1, s0  }
0xbc: {  	s0 =	sadd.s32 $0x8F2B, s0  }
0xbd: {  	[sflag:s0] =	ssyncadd.remote.s32 $0x1  }
0xbe: {  	_ =	sfence.sel $0xFFFF  }
0xbf: {  	[dreg:$0x0] =	wrdreg $0xFFFFFFFF;
	(pc) =	sbr.abs _section_cstart, $3  }
0xc0: {  	[dreg:$0x1] =	wrdreg $0xFFFFFFFF  }
0xc1: {  	_ =	task.clear_ibuf [dreg:s7], $0x2FFFF;
	_ =	strace $0x9FFFFFFF  }
0xc2: {  	(tm) =	ssettm $0x7FFFFFFF  }
0xc3: {  	_ =	shalt  }
tec
execute0_lowered:
.L_overlay_start_1:
0x0: {  	(tag) =	ssettag $0x1  }
0x1: {  	s0 =	srdreg.scid;
	s3 =	rddreg [dreg:$0x0]  }
0x2: {  	s10 =	stileid.u32;
	s4 =	rddreg [dreg:$0x1];
	s2 =	simm.s32 $0x0  }
0x3: {  	s28 =	simm.s32 $0x10400;
	s30 =	simm.s32 $0x12400;
	s7 =	smul.u32 $0xC800, s10  }
0x4: {  	s29 =	simm.s32 $0x2;
	s0 =	sand.u32 $0x1, s0;
	s23 =	smul.u32 $0x64000, s10  }
0x5: {  	s31 =	simm.s32 $0x3;
	s1 =	sshll.u32 s10, $0x1;
	s9 =	smul.u32 $0x6400, s0  }
0x6: {  	s1 =	sor.u32 s0, s1;
	s6 =	ssub.s32 $0x2, s0;
	s0 =	smul.u32 $0x32000, s0  }
0x7: {  	[smem:$0x7FF] =	sst s2;
	s10 =	simm.s32 $0x0;
	s5 =	smul.u32 $0x6400, s1  }
0x8: {  	_ =	strace $0x80000047;
	s1 =	smul.u32 $0x190000, s1;
	s8 =	sshrl.u32 s6, $0x1  }
0x9: {  	s6 =	ssub.s32 s6, s8;
	s19 =	sadd.s32 s9, s7;
	s5 =	sshrl.u32 s5, $0x3  }
0xa: {  	s1 =	sshrl.u32 s1, $0x3;
	s6 =	smax.u32 s6, $0x1;
	s5 =	sadd.s32 s5, s3  }
0xb: {  	s1 =	sadd.s32 s4, s1;
	[dreg:$0x9] =	wrdreg s6;
	s5 =	sadd.s32 $0x800, s5  }
0xc: {  	s7 =	simm.s32 $0x9;
	s17 =	sadd.s32 $0x2F800, s1;
	[dreg:$0x3] =	wrdreg s5  }
0xd: {  	s8 =	simm.s32 $0xA;
	s18 =	sadd.s32 $0x30000, s1;
	[dreg:$0x4] =	wrdreg s17  }
0xe: {  	s3 =	sadd.s32 $0x19800, s3;
	s20 =	sadd.s32 $0x30800, s1;
	[dreg:$0x5] =	wrdreg s18  }
0xf: {  	s6 =	simm.s32 $0x8;
	s21 =	sadd.s32 $0x31000, s1;
	[dreg:$0x6] =	wrdreg s20  }
0x10: {  	s1 =	sadd.s32 $0x31800, s1;
	[dreg:$0x7] =	wrdreg s21;
	s5 =	sshll.u32 s19, $0x3  }
0x11: {  	[dreg:$0x8] =	wrdreg s1;
	s17 =	simm.s32 $0x80;
	s18 =	simm.s32 $0x6400  }
0x12: {  	s19 =	simm.s32 $0x8400;
	s21 =	simm.s32 $0xA400;
	s22 =	sadd.s32 s5, s4  }
0x13: {  	s20 =	simm.s32 $0x16400;
	s4 =	sadd.s32 s23, s4;
	s24 =	sadd.s32 $0x2000, s22  }
0x14: {  	s23 =	simm.s32 $0xC400;
	s25 =	sadd.s32 $0x1800, s22;
	[dreg:$0xa] =	wrdreg s24  }
0x15: {  	s5 =	simm.s32 $0x7;
	s26 =	sadd.s32 $0x1000, s22;
	[dreg:$0xb] =	wrdreg s25  }
0x16: {  	s1 =	sadd.s32 $0x800, s22;
	s0 =	sadd.s32 s0, s4;
	[dreg:$0xc] =	wrdreg s26  }
0x17: {  	s22 =	simm.s32 $0x5;
	s4 =	simm.s32 $0x6;
	[dreg:$0xd] =	wrdreg s1  }
0x18: {  	[dreg:$0xe] =	wrdreg s0;
	s25 =	simm.s32 $0xE400;
	s1 =	simm.s32 $0x14400  }
0x19: {  	s24 =	simm.s32 $0x18400;
	s26 =	simm.s32 $0x1;
	s0 =	simm.s32 $0x4  }
.LBB2_1:
0x1a: {  	[dreg:$0xf] =	wrdreg s10  }
0x1b: {  	s9 =	rddreg [dreg:$0x3];
	s16 =	simm.s32 $0xB  }
0x1c: {  	[tilespmem:s2], [sflag:$0xB] =	stream.linear.gather [hbm4b:s9+s2], $0x6400, $0x38;
	[tilespmem:$0x1A400] =	vst v63  }
0x1d: {  	_ =	swait.ge [sflag:s16], $0x6400  }
0x1e: {  	[sflag:s16] =	ssyncset.done $0x0  }
0x1f: {  	[sflag:s16] =	ssyncadd.s32 $0xFFFF9C00  }
0x20: {  	[tilespmem:s18], [sflag:$0x1] =	stream.indirect.gather [hbm4b:s3+s17], $0x40, s2, s17, $0xb8;
	[tilespmem:$0x1A400] =	vst v63  }
0x21: {  	_ = 	snop  }
0x22: {  	[tilespmem:s19], [sflag:$0x1] =	stream.indirect.gather [hbm4b:s3+s17], $0x40, s17, s17, $0xb8;
	[tilespmem:$0x1A400] =	vst v63  }
0x23: {  	s10 =	simm.s32 $0x100  }
0x24: {  	[tilespmem:s21], [sflag:$0x2] =	stream.indirect.gather [hbm4b:s3+s17], $0x40, s10, s17, $0xb8;
	[tilespmem:$0x1A400] =	vst v63  }
0x25: {  	s11 =	simm.s32 $0x180  }
0x26: {  	[tilespmem:s23], [sflag:$0x2] =	stream.indirect.gather [hbm4b:s3+s17], $0x40, s11, s17, $0xb8;
	[tilespmem:$0x1A400] =	vst v63  }
0x27: {  	s12 =	simm.s32 $0x200  }
0x28: {  	[tilespmem:s25], [sflag:$0x3] =	stream.indirect.gather [hbm4b:s3+s17], $0x40, s12, s17, $0xb8;
	[tilespmem:$0x1A400] =	vst v63  }
0x29: {  	s13 =	simm.s32 $0x280  }
0x2a: {  	[tilespmem:s28], [sflag:$0x3] =	stream.indirect.gather [hbm4b:s3+s17], $0x40, s13, s17, $0xb8;
	[tilespmem:$0x1A400] =	vst v63  }
0x2b: {  	s14 =	simm.s32 $0x300  }
0x2c: {  	[tilespmem:s30], [sflag:$0x4] =	stream.indirect.gather [hbm4b:s3+s17], $0x40, s14, s17, $0xb8;
	[tilespmem:$0x1A400] =	vst v63  }
0x2d: {  	s15 =	simm.s32 $0x380  }
0x2e: {  	[tilespmem:s1], [sflag:$0x4] =	stream.indirect.gather [hbm4b:s3+s17], $0x40, s15, s17, $0xb8;
	[tilespmem:$0x1A400] =	vst v63  }
0x2f: {  	s16 =	simm.s32 $0x400  }
0x30: {  	[tilespmem:s20], [sflag:$0x5] =	stream.indirect.gather [hbm4b:s3+s17], $0x40, s16, s17, $0xb8;
	[tilespmem:$0x1A400] =	vst v63  }
0x31: {  	s10 =	simm.s32 $0x480  }
0x32: {  	[tilespmem:s24], [sflag:$0x5] =	stream.indirect.gather [hbm4b:s3+s17], $0x40, s10, s17, $0xb8;
	[tilespmem:$0x1A400] =	vst v63  }
0x33: {  	_ =	swait.ge [sflag:s26], $0x4000  }
0x34: {  	[sflag:s26] =	ssyncset.done $0x0  }
0x35: {  	s15 =	rddreg [dreg:$0xe];
	[sflag:s26] =	ssyncadd.s32 $0xFFFFC000  }
0x36: {  	[hbm4b:s15+s2] =	stream.linear.scatter [tilespmem:s18], [sflag:$0x6], $0x4000, $0x38;
	[tilespmem:$0x1A400] =	vst v63  }
0x37: {  	_ =	swait.ge [sflag:s29], $0x4000  }
0x38: {  	[sflag:s29] =	ssyncset.done $0x0  }
0x39: {  	s13 =	rddreg [dreg:$0xd];
	[sflag:s29] =	ssyncadd.s32 $0xFFFFC000  }
0x3a: {  	[hbm4b:s13+s2] =	stream.linear.scatter [tilespmem:s21], [sflag:$0x7], $0x4000, $0x38;
	[tilespmem:$0x1A400] =	vst v63  }
0x3b: {  	_ =	swait.ge [sflag:s31], $0x4000  }
0x3c: {  	[sflag:s31] =	ssyncset.done $0x0  }
0x3d: {  	s12 =	rddreg [dreg:$0xc];
	[sflag:s31] =	ssyncadd.s32 $0xFFFFC000  }
0x3e: {  	[hbm4b:s12+s2] =	stream.linear.scatter [tilespmem:s25], [sflag:$0x8], $0x4000, $0x38;
	[tilespmem:$0x1A400] =	vst v63  }
0x3f: {  	_ =	swait.ge [sflag:s0], $0x4000  }
0x40: {  	[sflag:s0] =	ssyncset.done $0x0  }
0x41: {  	s14 =	rddreg [dreg:$0xb];
	[sflag:s0] =	ssyncadd.s32 $0xFFFFC000  }
0x42: {  	[hbm4b:s14+s2] =	stream.linear.scatter [tilespmem:s30], [sflag:$0x9], $0x4000, $0x38;
	[tilespmem:$0x1A400] =	vst v63  }
0x43: {  	_ =	swait.ge [sflag:s22], $0x4000  }
0x44: {  	[sflag:s22] =	ssyncset.done $0x0  }
0x45: {  	s9 =	rddreg [dreg:$0xa];
	[sflag:s22] =	ssyncadd.s32 $0xFFFFC000  }
0x46: {  	[hbm4b:s9+s2] =	stream.linear.scatter [tilespmem:s20], [sflag:$0xA], $0x4000, $0x38;
	[tilespmem:$0x1A400] =	vst v63  }
0x47: {  	_ =	swait.ge [sflag:s4], $0x4000  }
0x48: {  	[sflag:s4] =	ssyncset.done $0x0  }
0x49: {  	s11 =	simm.s32 $0x500;
	[sflag:s4] =	ssyncadd.s32 $0xFFFFC000  }
0x4a: {  	[tilespmem:s18], [sflag:$0x1] =	stream.indirect.gather [hbm4b:s3+s17], $0x40, s11, s17, $0xb8;
	[tilespmem:$0x1A400] =	vst v63  }
0x4b: {  	s16 =	simm.s32 $0x580  }
0x4c: {  	[tilespmem:s19], [sflag:$0x1] =	stream.indirect.gather [hbm4b:s3+s17], $0x40, s16, s17, $0xb8;
	[tilespmem:$0x1A400] =	vst v63  }
0x4d: {  	_ =	swait.ge [sflag:s5], $0x4000  }
0x4e: {  	[sflag:s5] =	ssyncset.done $0x0  }
0x4f: {  	s11 =	simm.s32 $0x600;
	[sflag:s5] =	ssyncadd.s32 $0xFFFFC000  }
0x50: {  	[tilespmem:s21], [sflag:$0x2] =	stream.indirect.gather [hbm4b:s3+s17], $0x40, s11, s17, $0xb8;
	[tilespmem:$0x1A400] =	vst v63  }
0x51: {  	s16 =	simm.s32 $0x680  }
0x52: {  	[tilespmem:s23], [sflag:$0x2] =	stream.indirect.gather [hbm4b:s3+s17], $0x40, s16, s17, $0xb8;
	[tilespmem:$0x1A400] =	vst v63  }
0x53: {  	_ =	swait.ge [sflag:s6], $0x4000  }
0x54: {  	[sflag:s6] =	ssyncset.done $0x0  }
0x55: {  	s11 =	simm.s32 $0x700;
	[sflag:s6] =	ssyncadd.s32 $0xFFFFC000  }
0x56: {  	[tilespmem:s25], [sflag:$0x3] =	stream.indirect.gather [hbm4b:s3+s17], $0x40, s11, s17, $0xb8;
	[tilespmem:$0x1A400] =	vst v63  }
0x57: {  	s16 =	simm.s32 $0x780  }
0x58: {  	[tilespmem:s28], [sflag:$0x3] =	stream.indirect.gather [hbm4b:s3+s17], $0x40, s16, s17, $0xb8;
	[tilespmem:$0x1A400] =	vst v63  }
0x59: {  	_ =	swait.ge [sflag:s7], $0x4000  }
0x5a: {  	[sflag:s7] =	ssyncset.done $0x0  }
0x5b: {  	s11 =	simm.s32 $0x800;
	[sflag:s7] =	ssyncadd.s32 $0xFFFFC000  }
0x5c: {  	[tilespmem:s30], [sflag:$0x4] =	stream.indirect.gather [hbm4b:s3+s17], $0x40, s11, s17, $0xb8;
	[tilespmem:$0x1A400] =	vst v63  }
0x5d: {  	s16 =	simm.s32 $0x880  }
0x5e: {  	[tilespmem:s1], [sflag:$0x4] =	stream.indirect.gather [hbm4b:s3+s17], $0x40, s16, s17, $0xb8;
	[tilespmem:$0x1A400] =	vst v63  }
0x5f: {  	s10 =	simm.s32 $0x1400;
	_ =	swait.ge [sflag:s8], $0x4000  }
0x60: {  	s12 =	sadd.s32 $0x2800, s12;
	s14 =	sadd.s32 $0x2800, s14;
	[sflag:s8] =	ssyncset.done $0x0  }
0x61: {  	s11 =	simm.s32 $0x900;
	s16 =	sadd.s32 $0x2800, s13;
	[sflag:s8] =	ssyncadd.s32 $0xFFFFC000  }
0x62: {  	[tilespmem:s20], [sflag:$0x5] =	stream.indirect.gather [hbm4b:s3+s17], $0x40, s11, s17, $0xb8;
	[tilespmem:$0x1A400] =	vst v63  }
0x63: {  	s13 =	sadd.s32 $0x2800, s9;
	s11 =	sadd.s32 $0x2800, s15;
	s15 =	simm.s32 $0x980  }
.LBB2_2:
0x64: {  	[tilespmem:s24], [sflag:$0x5] =	stream.indirect.gather [hbm4b:s3+s17], $0x40, s15, s17, $0xb8;
	[tilespmem:$0x1A400] =	vst v63  }
0x65: {  	s15 =	smov.u32 s10  }
0x66: {  	p0 =	sne.s32 s10, $0x16800;
	s10 =	sadd.s32 $0x1400, s10;
	_ =	swait.ge [sflag:s26], $0x4000  }
0x67: {  	[sflag:s26] =	ssyncset.done $0x0  }
0x68: {  	[sflag:s26] =	ssyncadd.s32 $0xFFFFC000  }
0x69: {  	[hbm4b:s11+s2] =	stream.linear.scatter [tilespmem:s18], [sflag:$0x6], $0x4000, $0x38;
	[tilespmem:$0x1A400] =	vst v63  }
0x6a: {  	_ =	swait.ge [sflag:s29], $0x4000  }
0x6b: {  	[sflag:s29] =	ssyncset.done $0x0  }
0x6c: {  	[sflag:s29] =	ssyncadd.s32 $0xFFFFC000  }
0x6d: {  	[hbm4b:s16+s2] =	stream.linear.scatter [tilespmem:s21], [sflag:$0x7], $0x4000, $0x38;
	[tilespmem:$0x1A400] =	vst v63  }
0x6e: {  	_ =	swait.ge [sflag:s31], $0x4000  }
0x6f: {  	[sflag:s31] =	ssyncset.done $0x0  }
0x70: {  	[sflag:s31] =	ssyncadd.s32 $0xFFFFC000  }
0x71: {  	[hbm4b:s12+s2] =	stream.linear.scatter [tilespmem:s25], [sflag:$0x8], $0x4000, $0x38;
	[tilespmem:$0x1A400] =	vst v63  }
0x72: {  	_ =	swait.ge [sflag:s0], $0x4000  }
0x73: {  	[sflag:s0] =	ssyncset.done $0x0  }
0x74: {  	[sflag:s0] =	ssyncadd.s32 $0xFFFFC000  }
0x75: {  	[hbm4b:s14+s2] =	stream.linear.scatter [tilespmem:s30], [sflag:$0x9], $0x4000, $0x38;
	[tilespmem:$0x1A400] =	vst v63  }
0x76: {  	_ =	swait.ge [sflag:s22], $0x4000  }
0x77: {  	[sflag:s22] =	ssyncset.done $0x0  }
0x78: {  	[sflag:s22] =	ssyncadd.s32 $0xFFFFC000  }
0x79: {  	[hbm4b:s13+s2] =	stream.linear.scatter [tilespmem:s20], [sflag:$0xA], $0x4000, $0x38;
	[tilespmem:$0x1A400] =	vst v63  }
0x7a: {  	_ =	swait.ge [sflag:s4], $0x4000  }
0x7b: {  	s15 =	sshra.s32 s15, $0x2;
	[sflag:s4] =	ssyncset.done $0x0  }
0x7c: {  	s9 =	sadd.s32 $0x500, s15;
	[sflag:s4] =	ssyncadd.s32 $0xFFFFC000  }
0x7d: {  	[tilespmem:s18], [sflag:$0x1] =	stream.indirect.gather [hbm4b:s3+s17], $0x40, s9, s17, $0xb8;
	[tilespmem:$0x1A400] =	vst v63  }
0x7e: {  	s9 =	sadd.s32 $0x580, s15  }
0x7f: {  	[tilespmem:s19], [sflag:$0x1] =	stream.indirect.gather [hbm4b:s3+s17], $0x40, s9, s17, $0xb8;
	[tilespmem:$0x1A400] =	vst v63  }
0x80: {  	_ =	swait.ge [sflag:s5], $0x4000  }
0x81: {  	[sflag:s5] =	ssyncset.done $0x0  }
0x82: {  	s9 =	sadd.s32 $0x600, s15;
	[sflag:s5] =	ssyncadd.s32 $0xFFFFC000  }
0x83: {  	[tilespmem:s21], [sflag:$0x2] =	stream.indirect.gather [hbm4b:s3+s17], $0x40, s9, s17, $0xb8;
	[tilespmem:$0x1A400] =	vst v63  }
0x84: {  	s9 =	sadd.s32 $0x680, s15  }
0x85: {  	[tilespmem:s23], [sflag:$0x2] =	stream.indirect.gather [hbm4b:s3+s17], $0x40, s9, s17, $0xb8;
	[tilespmem:$0x1A400] =	vst v63  }
0x86: {  	_ =	swait.ge [sflag:s6], $0x4000  }
0x87: {  	[sflag:s6] =	ssyncset.done $0x0  }
0x88: {  	s9 =	sadd.s32 $0x700, s15;
	[sflag:s6] =	ssyncadd.s32 $0xFFFFC000  }
0x89: {  	[tilespmem:s25], [sflag:$0x3] =	stream.indirect.gather [hbm4b:s3+s17], $0x40, s9, s17, $0xb8;
	[tilespmem:$0x1A400] =	vst v63  }
0x8a: {  	s9 =	sadd.s32 $0x780, s15  }
0x8b: {  	[tilespmem:s28], [sflag:$0x3] =	stream.indirect.gather [hbm4b:s3+s17], $0x40, s9, s17, $0xb8;
	[tilespmem:$0x1A400] =	vst v63  }
0x8c: {  	_ =	swait.ge [sflag:s7], $0x4000  }
0x8d: {  	[sflag:s7] =	ssyncset.done $0x0  }
0x8e: {  	s9 =	sadd.s32 $0x800, s15;
	[sflag:s7] =	ssyncadd.s32 $0xFFFFC000  }
0x8f: {  	[tilespmem:s30], [sflag:$0x4] =	stream.indirect.gather [hbm4b:s3+s17], $0x40, s9, s17, $0xb8;
	[tilespmem:$0x1A400] =	vst v63  }
0x90: {  	s9 =	sadd.s32 $0x880, s15  }
0x91: {  	[tilespmem:s1], [sflag:$0x4] =	stream.indirect.gather [hbm4b:s3+s17], $0x40, s9, s17, $0xb8;
	[tilespmem:$0x1A400] =	vst v63  }
.Ltmp0:
0x92: {  	_ =	swait.ge [sflag:s8], $0x4000;
	(pc) =	sbr.rel @p0 .LBB2_2-.Ltmp0, $4  }
0x93: {  	s11 =	sadd.s32 $0x2800, s11;
	s16 =	sadd.s32 $0x2800, s16;
	[sflag:s8] =	ssyncset.done $0x0  }
0x94: {  	s12 =	sadd.s32 $0x2800, s12;
	s9 =	sadd.s32 $0x900, s15;
	[sflag:s8] =	ssyncadd.s32 $0xFFFFC000  }
0x95: {  	[tilespmem:s20], [sflag:$0x5] =	stream.indirect.gather [hbm4b:s3+s17], $0x40, s9, s17, $0xb8;
	[tilespmem:$0x1A400] =	vst v63  }
0x96: {  	s14 =	sadd.s32 $0x2800, s14;
	s13 =	sadd.s32 $0x2800, s13;
	s15 =	sadd.s32 $0x980, s15  }
0x97: {  	[tilespmem:s24], [sflag:$0x5] =	stream.indirect.gather [hbm4b:s3+s17], $0x40, s15, s17, $0xb8;
	[tilespmem:$0x1A400] =	vst v63  }
0x98: {  	_ =	swait.ge [sflag:s26], $0x4000  }
0x99: {  	[sflag:s26] =	ssyncset.done $0x0  }
0x9a: {  	s9 =	rddreg [dreg:$0x4];
	[sflag:s26] =	ssyncadd.s32 $0xFFFFC000  }
0x9b: {  	[hbm4b:s9+s2] =	stream.linear.scatter [tilespmem:s18], [sflag:$0x6], $0x4000, $0x38;
	[tilespmem:$0x1A400] =	vst v63  }
0x9c: {  	_ =	swait.ge [sflag:s29], $0x4000  }
0x9d: {  	[sflag:s29] =	ssyncset.done $0x0  }
0x9e: {  	s12 =	rddreg [dreg:$0x5];
	[sflag:s29] =	ssyncadd.s32 $0xFFFFC000  }
0x9f: {  	[hbm4b:s12+s2] =	stream.linear.scatter [tilespmem:s21], [sflag:$0x7], $0x4000, $0x38;
	[tilespmem:$0x1A400] =	vst v63  }
0xa0: {  	_ =	swait.ge [sflag:s31], $0x4000  }
0xa1: {  	[sflag:s31] =	ssyncset.done $0x0  }
0xa2: {  	s13 =	rddreg [dreg:$0x6];
	[sflag:s31] =	ssyncadd.s32 $0xFFFFC000  }
0xa3: {  	[hbm4b:s13+s2] =	stream.linear.scatter [tilespmem:s25], [sflag:$0x8], $0x4000, $0x38;
	[tilespmem:$0x1A400] =	vst v63  }
0xa4: {  	_ =	swait.ge [sflag:s0], $0x4000  }
0xa5: {  	[sflag:s0] =	ssyncset.done $0x0  }
0xa6: {  	s14 =	rddreg [dreg:$0x7];
	[sflag:s0] =	ssyncadd.s32 $0xFFFFC000  }
0xa7: {  	[hbm4b:s14+s2] =	stream.linear.scatter [tilespmem:s30], [sflag:$0x9], $0x4000, $0x38;
	[tilespmem:$0x1A400] =	vst v63  }
0xa8: {  	_ =	swait.ge [sflag:s22], $0x4000  }
0xa9: {  	[sflag:s22] =	ssyncset.done $0x0  }
0xaa: {  	s15 =	rddreg [dreg:$0x8];
	[sflag:s22] =	ssyncadd.s32 $0xFFFFC000  }
0xab: {  	[hbm4b:s15+s2] =	stream.linear.scatter [tilespmem:s20], [sflag:$0xA], $0x4000, $0x38;
	[tilespmem:$0x1A400] =	vst v63  }
0xac: {  	_ =	swait.ge [sflag:s4], $0x4000  }
0xad: {  	[sflag:s4] =	ssyncset.done $0x0  }
0xae: {  	[sflag:s4] =	ssyncadd.s32 $0xFFFFC000  }
0xaf: {  	_ =	swait.ge [sflag:s5], $0x4000  }
0xb0: {  	[sflag:s5] =	ssyncset.done $0x0  }
0xb1: {  	[sflag:s5] =	ssyncadd.s32 $0xFFFFC000  }
0xb2: {  	_ =	swait.ge [sflag:s6], $0x4000  }
0xb3: {  	[sflag:s6] =	ssyncset.done $0x0  }
0xb4: {  	[sflag:s6] =	ssyncadd.s32 $0xFFFFC000  }
0xb5: {  	_ =	swait.ge [sflag:s7], $0x4000  }
0xb6: {  	[sflag:s7] =	ssyncset.done $0x0  }
0xb7: {  	[sflag:s7] =	ssyncadd.s32 $0xFFFFC000  }
0xb8: {  	_ =	swait.ge [sflag:s8], $0x4000  }
0xb9: {  	s10 =	rddreg [dreg:$0xf]  }
0xba: {  	s16 =	rddreg [dreg:$0x9];
	s10 =	sadd.s32 $0x1, s10  }
0xbb: {  	p0 =	sne.s32 s10, s16  }
.Ltmp1:
0xbc: {  	_ = 	snop;
	(pc) =	sbr.rel @p0 .LBB2_1-.Ltmp1, $3  }
0xbd: {  	_ =	sdelay $0x1  }
0xbe: {  	[sflag:s8] =	ssyncset.done $0x0  }
0xbf: {  	[sflag:s8] =	ssyncadd.s32 $0xFFFFC000  }
0xc0: {  	_ =	sfence.sel $0x180000  }
0xc1: {  	[bflag:$0x0] =	sbarrier.arrive $0xFFFF  }
0xc2: {  	_ =	strace $0x90000047  }
0xc3: {  	s0 =	stileid.u32;
	[bflag:$0x2] =	sbarrier.arrive $0xFFFF  }
0xc4: {  	p0 =	sne.s32 s0, $0x0;
	s0 =	rddreg [dreg:$0x2]  }
0xc5: {  	s0 =	sadd.s32 @!p0 $0x100000, s0  }
0xc6: {  	[sflag:s0] =	ssyncadd.tile.s32 @!p0 $0x1;
	_ =	shalt  }
.Lfunc_end2:
_tile_overlayer_lowered:
.L_overlay_start_2:
0xc7: {  	(tag) =	ssettag $0x2  }
0xc8: {  	s0 =	rddreg [dreg:$0x0];
	s2 =	stileid.u32  }
0xc9: {  	s1 =	rddreg [dreg:$0x1];
	p0 =	sne.s32 s2, $0x0  }
0xca: {  	s3 =	rddreg [dreg:$0x2];
	[bflag:$0x3] =	sbarrier.arrive $0xFFFF;
	s2 =	simm.s32 @!p0 $0x1C0B  }
0xcb: {  	[timem:s3], [sflag:s2] =	dma.local @!p0 [hbm:s0], s1  }
0xcc: {  	s0 =	simm.s32 @!p0 $0xB  }
0xcd: {  	_ =	swait.ge @!p0 [sflag:s0], s1  }
0xce: {  	s1 =	ssub.s32 @!p0 $0x0, s1;
	[sflag:s0] =	ssyncset.done @!p0 $0x0  }
0xcf: {  	[sflag:s0] =	ssyncadd.s32 @!p0 s1  }
0xd0: {  	[bflag:$0x3] =	sbarrier.arrive $0xFFFF  }
0xd1: {  	_ =	shalt  }

// kernel: sparse-core-data-format-call.cloned.1.call-start
scs
called_computation_lowered:
.L_overlay_start_0:
0x0: {  	s2 =	sld [smem:$0x3FD9]  }
0x1: {  	s3 =	sld [smem:$0x3FFE];
	_ =	sdelay $0x1  }
0x2: {  	s1 =	srdreg.scid  }
0x3: {  	s0 =	sand.u32 $0x1, s1  }
0x4: {  	s18 =	sshll.u32 s0, $0xA;
	s2 =	sadd.s32 s3, s2  }
0x5: {  	s2 =	sadd.s32 s2, s18  }
0x6: {  	[smem:$0x3FC6] =	sst s2  }
0x7: {  	_ = 	snop  }
0x8: {  	s2 =	sld [smem:$0x3FD0];
	(tm) =	ssettm $0x1  }
0x9: {  	s19 =	sld [smem:$0x3FFB];
	_ =	sdelay $0x3  }
0xa: {  	_ =	strace s19  }
0xb: {  	s3 =	sld [smem:$0x3FFC];
	_ =	sdelay $0x3  }
0xc: {  	_ =	strace s3  }
0xd: {  	s3 =	sld [smem:$0x3FFD];
	_ =	sdelay $0x3  }
0xe: {  	_ =	strace s3  }
0xf: {  	_ =	strace $0x8FFFFFFF  }
0x10: {  	s20 =	sld [smem:$0x3FDB];
	_ =	sdelay $0x1  }
0x11: {  	s4 =	simm.s32 $_scs_section_size  }
0x12: {  	s5 =	simm.s32 $_size__tile_overlayer_lowered;
	s6 =	simm.s32 $_tile_overlayer_lowered  }
0x13: {  	s23 =	simm.s32 $0x1BFF;
	s22 =	sshll.u32 s6, $0x1;
	s3 =	sadd.s32 s4, s20  }
0x14: {  	s7 =	simm.s32 $0x0;
	s21 =	sshll.u32 s5, $0x1;
	s5 =	sadd.s32 s22, s3  }
0x15: {  	[timem:s7], [sflag:s23] =	dma.local [hbm:s5], s21  }
0x16: {  	_ =	swait.ge [sflag:s23], s21  }
0x17: {  	s4 =	ssub.s32 $0x0, s21;
	[sflag:s23] =	ssyncset.done $0x0  }
0x18: {  	[sflag:s23] =	ssyncadd.s32 s4;
	_ =	sdelay $0x1  }
0x19: {  	s24 =	simm.s32 $0x1B8B  }
0x1a: {  	_ =	swait.ge [sflag:s24], $0x1  }
0x1b: {  	[sflag:s24] =	ssyncset.done $0x0  }
0x1c: {  	s26 =	simm.s32 $0x1B8E;
	s25 =	sld [smem:$0x3FFE];
	[sflag:s24] =	ssyncadd.s32 $0xFFFFFFFF  }
0x1d: {  	s27 =	simm.s32 $execute0_lowered;
	[smem:$0x3FD2] =	sst s26  }
0x1e: {  	s5 =	sshll.u32 s27, $0x1;
	_ =	strace $0x80000049;
	[dreg:$0x1] =	wrdreg $0xFFFFFFFF  }
0x1f: {  	s28 =	simm.s32 $_size_execute0_lowered;
	s3 =	sadd.s32 s3, s5;
	[dreg:$0x0] =	wrdreg $0x0  }
0x20: {  	s5 =	sshll.u32 s28, $0x1;
	[dreg:$0x2] =	wrdreg s3  }
0x21: {  	[dreg:$0x3] =	wrdreg s5  }
0x22: {  	[dreg:$0x4] =	wrdreg $0xC0  }
0x23: {  	_ =	task [dreg:s7], $0x5FFFF  }
0x24: {  	[dreg:$0x1] =	wrdreg $0xFFFFFFFF  }
0x25: {  	[dreg:$0x0] =	wrdreg $0x60  }
0x26: {  	[dreg:$0x2] =	wrdreg s25  }
0x27: {  	[dreg:$0x3] =	wrdreg s2  }
0x28: {  	[dreg:$0x4] =	wrdreg $0x9  }
0x29: {  	_ =	task.clear_ibuf [dreg:s7], $0x5FFFF;
	_ =	strace $0x90000049  }
0x2a: {  	s29 =	simm.s32 $0x9;
	_ =	strace $0x8000004B  }
0x2b: {  	_ =	swait.ge [sflag:s29], $0x1  }
0x2c: {  	[sflag:s29] =	ssyncadd.s32 $0xFFFFFFFF  }
0x2d: {  	_ =	strace $0x9000004B  }
0x2e: {  	_ =	sfence  }
0x2f: {  	s30 =	sld [smem:$0x0];
	_ =	sdelay $0x2  }
0x30: {  	s31 =	sshll.u32 s1, $0xD;
	s1 =	sshrl.u32 s1, $0x2  }
0x31: {  	s3 =	sand.u32 $0x4000, s31;
	s1 =	sadd.s32 s1, s30  }
0x32: {  	s0 =	sor.u32 s3, s0;
	s1 =	sshll.u32 s1, $0x11  }
0x33: {  	s0 =	sor.u32 s1, s0  }
0x34: {  	s0 =	sadd.s32 $0x8F2B, s0  }
0x35: {  	[sflag:s0] =	ssyncadd.remote.s32 $0x1  }
0x36: {  	_ =	sfence.sel $0xFFFF  }
0x37: {  	[dreg:$0x0] =	wrdreg $0xFFFFFFFF;
	(pc) =	sbr.abs _section_cstart, $3  }
0x38: {  	[dreg:$0x1] =	wrdreg $0xFFFFFFFF  }
0x39: {  	_ =	task.clear_ibuf [dreg:s7], $0x2FFFF;
	_ =	strace $0x9FFFFFFF  }
0x3a: {  	(tm) =	ssettm $0x7FFFFFFF  }
0x3b: {  	_ =	shalt  }
tec
execute0_lowered:
.L_overlay_start_1:
0x0: {  	(tag) =	ssettag $0x1  }
0x1: {  	s0 =	srdreg.scid  }
0x2: {  	s1 =	sshll.u32 s0, $0x4  }
0x3: {  	s0 =	stileid.u32;
	s1 =	sand.u32 $0x10, s1  }
0x4: {  	s1 =	sor.u32 s0, s1  }
0x5: {  	s6 =	rddreg [dreg:$0x0];
	s4 =	simm.s32 $0x1;
	s2 =	sshll.u32 s1, $0x7  }
0x6: {  	s7 =	simm.s32 $0x2;
	s12 =	simm.s32 $0x0;
	s1 =	ssub.s32 $0x4000, s2  }
0x7: {  	s8 =	simm.s32 $0x20000;
	s13 =	simm.s32 $0x0;
	s3 =	sand.u32 $0xF80, s1  }
0x8: {  	s9 =	simm.s32 $0x0;
	s5 =	sshrl.u32 s1, $0xC;
	p0 =	sne.s32 s3, $0x0  }
.Ltmp0:
0x9: {  	s1 =	rddreg [dreg:$0x2];
	s4 =	simm.s32 @!p0 $0x0;
	(pc) =	sbr.rel .LBB1_1-.Ltmp0, $4  }
0xa: {  	s11 =	simm.s32 $0x0;
	s3 =	rddreg [dreg:$0x1];
	s5 =	sadd.s32 s4, s5  }
0xb: {  	_ =	strace $0x8000004A;
	s4 =	simm.s32 $0x1;
	s5 =	smul.u32 $0x32, s5  }
0xc: {  	s6 =	sadd.s32 $0x800, s6;
	s10 =	smov.u32 s2;
	[sflag:s4] =	ssyncpa.u1 $0x0  }
0xd: {  	p0 =	por $0x0, $0x0;
	[sflag:s7] =	ssyncpa.u1 $0x0;
	s7 =	sor.u32 $0x1, s5  }
.LBB1_4:
0xe: {  	s16 =	sshll.u32 s13, $0x3;
	s17 =	sand.u32 $0x78, s13  }
0xf: {  	s30 =	sand.u32 $0x1F800, s13;
	s12 =	sshll.u32 s12, $0x11;
	s16 =	sand.u32 $0x3C00, s16  }
0x10: {  	[tilespmem:s15+$0x810 ss:$0x81] =	vst.msk $0xffff, v2;
	s31 =	sand.u32 $0x7, s13;
	s16 =	sor.u32 s17, s16;
	s17 =	sadd.s32 s3, s30  }
0x11: {  	[tilespmem:s15+$0x1020 ss:$0x81] =	vst.msk $0xffff, v0;
	s13 =	sshll.u32 s31, $0x12;
	s12 =	sadd.s32 s12, s17;
	s16 =	sshrl.u32 s16, $0x3  }
0x12: {  	[tilespmem:s15+$0x0 ss:$0x81] =	vst.msk $0xffff, v1;
	s13 =	sor.u32 $0x400, s13;
	s12 =	sadd.s32 s16, s12  }
0x13: {  	[hbm4b:s12+s13] =	stream.strided.scatter [tilespmem:s14], [sflag:$0x2], $0x2000, s8, s13, $0x20;
	[tilespmem:$0x8080] =	vst v63  }
.LBB1_5:
0x14: {  	s14 =	sadd.s32 $0x1, s9  }
0x15: {  	s12 =	sadd.s32 $0x1000, s10;
	s16 =	smov.u32 s10;
	p2 =	sgt.s32 s14, $0x31  }
0x16: {  	s16 =	smov.u32 @p2 s12  }
0x17: {  	s14 =	simm.s32 @p2 $0x0;
	p2 =	sgt.s32 s16, $0x3FFF  }
0x18: {  	s16 =	smov.u32 @p2 s2;
	p2 =	sne.s32 s11, s7  }
.Ltmp1:
0x19: {  	p1 =	slt.u32 s11, $0x2;
	(pc) =	sbr.rel @!p2 .LBB1_6-.Ltmp1, $4  }
0x1a: {  	s15 =	simm.s32 @!p1 $0x2  }
0x1b: {  	s13 =	smov.u32 s10;
	p0 =	por !p0, !p0;
	_ =	swait.ge @!p1 [sflag:s15], $0x2000  }
0x1c: {  	s12 =	smov.u32 s9;
	[sflag:s15] =	ssyncset.done @!p1 $0x0;
	s9 =	smov.u32 s14  }
0x1d: {  	s11 =	sadd.s32 $0x1, s11;
	[sflag:s15] =	ssyncadd.s32 @!p1 $0xFFFFE000;
	s10 =	smov.u32 s16  }
.LBB1_1:
0x1e: {  	p1 =	sge.u32 s11, s5  }
0x1f: {  	s14 =	sand.u32 @!p1 $0x1FFFFFF, s9  }
0x20: {  	s15 =	smulhi.u32 @!p1 $0x4924925, s14;
	_ =	sdelay $0x1  }
0x21: {  	s15 =	smul.u32 @!p1 $0x38, s15  }
0x22: {  	s16 =	sxor.u32 @!p1 $0xFFFFFFFF, s11;
	s17 =	smul.u32 @!p1 $0x380, s10  }
0x23: {  	s31 =	sadd.s32 $0xFFFFFFFF, s11;
	s16 =	sshll.u32 @!p1 s16, $0xD;
	s14 =	ssub.s32 @!p1 s14, s15  }
0x24: {  	s15 =	sand.u32 @!p1 $0x2000, s16;
	s16 =	sadd.s32 @!p1 s6, s17;
	s14 =	sshll.u32 @!p1 s14, $0x4  }
0x25: {  	s17 =	simm.s32 @!p1 $0x1C00;
	s14 =	sadd.s32 @!p1 s14, s16;
	s16 =	simm.s32 @!p1 $0x40  }
0x26: {  	[tilespmem:s15], [sflag:$0x1] =	stream.strided.gather @!p1 [hbm4b:s14+s16], $0x2000, s17, s16, $0x38;
	[tilespmem:$0x8080] =	vst v63  }
0x27: {  	p1 =	sge.u32 s31, s5  }
.Ltmp2:
0x28: {  	_ = 	snop;
	(pc) =	sbr.rel @p1 .LBB1_5-.Ltmp2, $1  }
0x29: {  	_ =	sdelay $0x3  }
0x2a: {  	s14 =	simm.s32 $0x1  }
0x2b: {  	_ =	swait.ge [sflag:s4], $0x2000;
	s14 =	simm.s32 @!p0 $0x0  }
0x2c: {  	[sflag:s4] =	ssyncset.done $0x0;
	s15 =	sshll.u32 s14, $0xD  }
0x2d: {  	[sflag:s4] =	ssyncadd.s32 $0xFFFFE000;
	s18 =	sor.u32 $0x20, s15  }
0x2e: {  	s14 =	smul.u32 $0x8100, s14;
	v3 =	vld [tilespmem:s18+$0x10]  }
0x2f: {  	s30 =	sand.u32 $0x1, s11;
	v2 =	vld [tilespmem:s18+$0xFFFFFFF0]  }
0x30: {  	s15 =	smul.u32 $0x8100, s30;
	s14 =	sshrl.u32 s14, $0x2;
	v0 =	vld [tilespmem:s18+$0x0]  }
0x31: {  	v1 =	vld [tilespmem:s18+$0xFFFFFFE0];
	s16 =	sor.u32 $0x4000, s14  }
0x32: {  	s31 =	sshrl.u32 s15, $0x2;
	s15 =	sadd.s32 $0x0, s16  }
0x33: {  	s17 =	simm.s32 $0x4;
	s18 =	sadd.s32 $0x40, s18;
	s14 =	sor.u32 $0x4000, s31;
	[tilespmem:s15+$0x1830 ss:$0x81] =	vst.msk $0xffff, v3  }
.LBB1_3:
0x34: {  	v3 =	vld [tilespmem:s18+$0x10];
	p1 =	sne.s32 s17, $0x1FC;
	[tilespmem:s15+$0x810 ss:$0x81] =	vst.msk $0xffff, v2;
	s19 =	smov.u32 s17;
	s17 =	sadd.s32 $0x4, s17  }
.Ltmp3:
0x35: {  	v2 =	vld [tilespmem:s18+$0xFFFFFFF0];
	[tilespmem:s15+$0x1020 ss:$0x81] =	vst.msk $0xffff, v0;
	(pc) =	sbr.rel @p1 .LBB1_3-.Ltmp3, $4  }
0x36: {  	v0 =	vld [tilespmem:s18+$0x0];
	[tilespmem:s15+$0x0 ss:$0x81] =	vst.msk $0xffff, v1  }
0x37: {  	s15 =	sshra.s32 s19, $0x2;
	v1 =	vld [tilespmem:s18+$0xFFFFFFE0]  }
0x38: {  	s15 =	sadd.s32 s15, s16  }
0x39: {  	s18 =	sadd.s32 $0x40, s18;
	[tilespmem:s15+$0x1830 ss:$0x81] =	vst.msk $0xffff, v3  }
.Ltmp4:
0x3a: {  	_ = 	snop;
	(pc) =	sbr.rel .LBB1_4-.Ltmp4, $1  }
0x3b: {  	_ =	sdelay $0x3  }
.LBB1_6:
0x3c: {  	_ =	sfence.sel $0x180000  }
0x3d: {  	s2 =	simm.s32 $0x1;
	[bflag:$0x0] =	sbarrier.arrive $0xFFFF  }
0x3e: {  	s31 =	simm.s32 $0x2;
	[sflag:s2] =	ssyncpa.u1 $0x1  }
0x3f: {  	[sflag:s31] =	ssyncpa.u1 $0x1  }
0x40: {  	p0 =	sne.s32 s0, $0x0;
	_ =	strace $0x9000004A  }
0x41: {  	s0 =	sadd.s32 @!p0 $0x100000, s1;
	[bflag:$0x2] =	sbarrier.arrive $0xFFFF  }
0x42: {  	[sflag:s0] =	ssyncadd.tile.s32 @!p0 $0x1;
	_ =	shalt  }
.Lfunc_end1:
_tile_overlayer_lowered:
.L_overlay_start_2:
0x43: {  	(tag) =	ssettag $0x2  }
0x44: {  	s0 =	rddreg [dreg:$0x0];
	s2 =	stileid.u32  }
0x45: {  	s1 =	rddreg [dreg:$0x1];
	p0 =	sne.s32 s2, $0x0  }
0x46: {  	s3 =	rddreg [dreg:$0x2];
	[bflag:$0x3] =	sbarrier.arrive $0xFFFF;
	s2 =	simm.s32 @!p0 $0x1C01  }
0x47: {  	[timem:s3], [sflag:s2] =	dma.local @!p0 [hbm:s0], s1  }
0x48: {  	s0 =	simm.s32 @!p0 $0x1  }
0x49: {  	_ =	swait.ge @!p0 [sflag:s0], s1  }
0x4a: {  	s1 =	ssub.s32 @!p0 $0x0, s1;
	[sflag:s0] =	ssyncset.done @!p0 $0x0  }
0x4b: {  	[sflag:s0] =	ssyncadd.s32 @!p0 s1  }
0x4c: {  	[bflag:$0x3] =	sbarrier.arrive $0xFFFF  }
0x4d: {  	_ =	shalt  }

</sc_bundles>
